<compile_context>
chip_gen: v7x
topology: tpu7x:2x2x1
jax: 0.10.2.dev20260603
libtpu: 0.0.44.dev20260713+nightly
codegen_flags: <defaults>
</compile_context>

<pallas_src>
import jax
import jax.numpy as jnp
from jax import lax
from jax.experimental import pallas as pl
from jax.experimental.pallas import tpu as pltpu
from jax.experimental.pallas import tpu_sc as plsc

VOCAB = 1000000
EMBED_DIM = 32
BATCH = 16384
HIST = 200

NC = 2
NS = 16
NW = NC * NS

N = BATCH * HIST
PER_W = N // NW
CH = 640
NBUF = 5
STEPS = PER_W // CH


def _body(x_hbm, table_hbm, out_hbm, idx_v, rows_v, gsem, ssem):
    wid = lax.axis_index("s") * NC + lax.axis_index("c")
    base = wid * PER_W

    def gather_start(slot):
        pltpu.async_copy(
            table_hbm.at[idx_v.at[slot]], rows_v.at[slot], gsem.at[slot]
        )

    def gather_wait(slot):
        pltpu.make_async_copy(
            table_hbm.at[idx_v.at[slot]], rows_v.at[slot], gsem.at[slot]
        ).wait()

    def store_start(s, slot):
        pltpu.async_copy(
            rows_v.at[slot], out_hbm.at[pl.ds(base + s * CH, CH)], ssem.at[slot]
        )

    def store_wait(s, slot):
        pltpu.make_async_copy(
            rows_v.at[slot], out_hbm.at[pl.ds(base + s * CH, CH)], ssem.at[slot]
        ).wait()

    pltpu.sync_copy(x_hbm.at[wid, 0], idx_v.at[0])
    gather_start(0)
    pltpu.sync_copy(x_hbm.at[wid, 1], idx_v.at[1])
    gather_start(1)

    def group_fn(g, carry):
        for b in range(NBUF):
            s = NBUF * g + b
            nslot = (b + 2) % NBUF

            gather_wait(b)
            store_start(s, b)

            @pl.when(s + 2 < STEPS)
            def _():
                @pl.when(s >= 3)
                def _():
                    store_wait(s - 3, (b + 4) % NBUF)

                pltpu.sync_copy(x_hbm.at[wid, s + 2], idx_v.at[nslot])
                gather_start(nslot)

        return carry

    lax.fori_loop(0, STEPS // NBUF, group_fn, 0)
    for k in range(NBUF, 0, -1):
        store_wait(STEPS - k, (STEPS - k) % NBUF)


@jax.jit
def _lookup(x_r, table):
    mesh = plsc.VectorSubcoreMesh(core_axis_name="c", subcore_axis_name="s")
    f = pl.kernel(
        _body,
        out_type=jax.ShapeDtypeStruct((N, EMBED_DIM), jnp.float32),
        mesh=mesh,
        scratch_types=[
            pltpu.VMEM((NBUF, CH), jnp.int32),
            pltpu.VMEM((NBUF, CH, EMBED_DIM), jnp.float32),
            pltpu.SemaphoreType.DMA((NBUF,)),
            pltpu.SemaphoreType.DMA((NBUF,)),
        ],
        compiler_params=pltpu.CompilerParams(use_tc_tiling_on_sc=False),
    )
    return f(x_r, table)


def kernel(x, table):
    x_r = x.reshape(NW, STEPS, CH).astype(jnp.int32)
    out = _lookup(x_r, table)
    return out.reshape(BATCH, HIST, EMBED_DIM)

# --- scband reference (transcript-rebuilt; emitter-appended) ---
"""Pipeline reference for scband-look-up-table-50328426775271 (READ-ONLY COPY).

The authoritative reference and input builder live on the scoring server;
editing this copy changes nothing except your own understanding.
"""

import jax, jax.numpy as jnp
import numpy as np

VOCAB = 1000000
EMBED_DIM = 32
BATCH = 16384
HIST = 200

def setup_inputs(seed: int = 0) -> dict:
    key = jax.random.key(seed)
    k_idx, k_tab = jax.random.split(key)
    x = jax.random.randint(k_idx, (BATCH, HIST), 0, VOCAB, dtype=jnp.int64 if jax.config.jax_enable_x64 else jnp.int32)
    table = jax.random.normal(k_tab, (VOCAB, EMBED_DIM), dtype=jnp.float32)
    return {"x": x, "table": table}

def reference(x, table):
    # nn.Embedding forward: gather rows of the table by index
    return jnp.take(table, x, axis=0)

if __name__ == "__main__":
    import jax
    _d = setup_inputs()
    print(jax.jit(kernel)(*tuple(_d.values())))

</pallas_src>

<mosaic_0001>
#map = affine_map<(d0, d1) -> (0, 0, 0)>
#map1 = affine_map<(d0, d1) -> (0, 0)>
module attributes {stable_mosaic.version = 14 : i64} {
  func.func @_body(%arg0: i32, %arg1: i32, %arg2: memref<32x160x640xi32, #tpu.memory_space<hbm>>, %arg3: memref<1000000x32xf32, #tpu.memory_space<hbm>>, %arg4: memref<3276800x32xf32, #tpu.memory_space<hbm>>, %arg5: memref<5x640xi32, #tpu.memory_space<vmem>>, %arg6: memref<5x640x32xf32, #tpu.memory_space<vmem>>, %arg7: memref<5x!tpu.dma_semaphore, #tpu.memory_space<semaphore_mem>>, %arg8: memref<5x!tpu.dma_semaphore, #tpu.memory_space<semaphore_mem>>) attributes {dimension_semantics = [#tpu.dimension_semantics<core_parallel>, #tpu.dimension_semantics<subcore_parallel>], iteration_bounds = array<i64: 2, 16>, scalar_prefetch = 0 : i64, scratch_operands = 4 : i64, tpu.core_type = #tpu.core_type<sc_vector_subcore>, window_params = [{transform_indices = #map}, {transform_indices = #map1}, {transform_indices = #map1}]} {
    %mul3A = arith.constant 2 : i32
    %mul3A_0 = arith.muli %arg1, %mul3A : i32
    %add3A = arith.addi %mul3A_0, %arg0 : i32
    %mul3A_1 = arith.constant 102400 : i32
    %mul3A_2 = arith.muli %add3A, %mul3A_1 : i32
    %run_scoped3A = arith.constant 0 : i32
    %run_scoped3A_3 = arith.constant 0 : i32
    "tpu.region"() ({
      %run_scoped3A_129 = tpu.sem_alloc : memref<!tpu.dma_semaphore, #tpu.memory_space<semaphore_mem>>
      %dma_start3A_130 = arith.constant 0 : i32
      %dma_start3A_131 = tpu.memref_slice %arg5[%run_scoped3A_3, %dma_start3A_130] : memref<5x640xi32, #tpu.memory_space<vmem>> -> memref<1x640xi32, #tpu.memory_space<vmem>>
      %dma_start3A_132 = tpu.memref_squeeze %dma_start3A_131 : memref<1x640xi32, #tpu.memory_space<vmem>> -> memref<640xi32, #tpu.memory_space<vmem>>
      %dma_start3A_133 = arith.constant 0 : i32
      %dma_start3A_134 = tpu.memref_slice %arg2[%add3A, %run_scoped3A, %dma_start3A_133] : memref<32x160x640xi32, #tpu.memory_space<hbm>> -> memref<1x1x640xi32, #tpu.memory_space<hbm>>
      %dma_start3A_135 = tpu.memref_squeeze %dma_start3A_134 : memref<1x1x640xi32, #tpu.memory_space<hbm>> -> memref<640xi32, #tpu.memory_space<hbm>>
      %dma_start3A_136 = arith.constant 0 : i32
      %dma_start3A_137 = tpu.memref_slice %arg5[%run_scoped3A_3, %dma_start3A_136] : memref<5x640xi32, #tpu.memory_space<vmem>> -> memref<1x640xi32, #tpu.memory_space<vmem>>
      %dma_start3A_138 = tpu.memref_squeeze %dma_start3A_137 : memref<1x640xi32, #tpu.memory_space<vmem>> -> memref<640xi32, #tpu.memory_space<vmem>>
      %dma_start3A_139 = arith.constant 0 : i32
      %dma_start3A_140 = tpu.memref_slice %arg2[%add3A, %run_scoped3A, %dma_start3A_139] : memref<32x160x640xi32, #tpu.memory_space<hbm>> -> memref<1x1x640xi32, #tpu.memory_space<hbm>>
      %dma_start3A_141 = tpu.memref_squeeze %dma_start3A_140 : memref<1x1x640xi32, #tpu.memory_space<hbm>> -> memref<640xi32, #tpu.memory_space<hbm>>
      tpu.enqueue_dma source(%dma_start3A_141 : memref<640xi32, #tpu.memory_space<hbm>>) target(%dma_start3A_138 : memref<640xi32, #tpu.memory_space<vmem>>) target_semaphore(%run_scoped3A_129 : memref<!tpu.dma_semaphore, #tpu.memory_space<semaphore_mem>>)
      %dma_wait3A_142 = arith.constant 0 : i32
      %dma_wait3A_143 = tpu.memref_slice %arg5[%run_scoped3A_3, %dma_wait3A_142] : memref<5x640xi32, #tpu.memory_space<vmem>> -> memref<1x640xi32, #tpu.memory_space<vmem>>
      %dma_wait3A_144 = tpu.memref_squeeze %dma_wait3A_143 : memref<1x640xi32, #tpu.memory_space<vmem>> -> memref<640xi32, #tpu.memory_space<vmem>>
      %dma_wait3A_145 = arith.constant 0 : i32
      %dma_wait3A_146 = tpu.memref_slice %arg2[%add3A, %run_scoped3A, %dma_wait3A_145] : memref<32x160x640xi32, #tpu.memory_space<hbm>> -> memref<1x1x640xi32, #tpu.memory_space<hbm>>
      %dma_wait3A_147 = tpu.memref_squeeze %dma_wait3A_146 : memref<1x1x640xi32, #tpu.memory_space<hbm>> -> memref<640xi32, #tpu.memory_space<hbm>>
      %dma_wait3A_148 = arith.constant 0 : i32
      %dma_wait3A_149 = tpu.memref_slice %arg5[%run_scoped3A_3, %dma_wait3A_148] : memref<5x640xi32, #tpu.memory_space<vmem>> -> memref<1x640xi32, #tpu.memory_space<vmem>>
      %dma_wait3A_150 = tpu.memref_squeeze %dma_wait3A_149 : memref<1x640xi32, #tpu.memory_space<vmem>> -> memref<640xi32, #tpu.memory_space<vmem>>
      %dma_wait3A_151 = arith.constant 0 : i32
      %dma_wait3A_152 = tpu.memref_slice %arg2[%add3A, %run_scoped3A, %dma_wait3A_151] : memref<32x160x640xi32, #tpu.memory_space<hbm>> -> memref<1x1x640xi32, #tpu.memory_space<hbm>>
      %dma_wait3A_153 = tpu.memref_squeeze %dma_wait3A_152 : memref<1x1x640xi32, #tpu.memory_space<hbm>> -> memref<640xi32, #tpu.memory_space<hbm>>
      tpu.wait_dma2 semaphore(%run_scoped3A_129 : memref<!tpu.dma_semaphore, #tpu.memory_space<semaphore_mem>>) src(%dma_wait3A_153 : memref<640xi32, #tpu.memory_space<hbm>>) dst(%dma_wait3A_150 : memref<640xi32, #tpu.memory_space<vmem>>)
      tpu.yield
    }) : () -> ()
    %dma_start3A = arith.constant 0 : i32
    %dma_start3A_4 = arith.constant 0 : i32
    %dma_start3A_5 = arith.constant 0 : i32
    %dma_start3A_6 = arith.constant 0 : i32
    %dma_start3A_7 = arith.constant 0 : i32
    %dma_start3A_8 = tpu.memref_slice %arg6[%dma_start3A_4, %dma_start3A_6, %dma_start3A_7] : memref<5x640x32xf32, #tpu.memory_space<vmem>> -> memref<1x640x32xf32, #tpu.memory_space<vmem>>
    %dma_start3A_9 = tpu.memref_squeeze %dma_start3A_8 : memref<1x640x32xf32, #tpu.memory_space<vmem>> -> memref<640x32xf32, #tpu.memory_space<vmem>>
    %dma_start3A_10 = arith.constant 0 : i32
    %dma_start3A_11 = tpu.memref_slice %arg5[%dma_start3A, %dma_start3A_10] : memref<5x640xi32, #tpu.memory_space<vmem>> -> memref<1x640xi32, #tpu.memory_space<vmem>>
    %dma_start3A_12 = tpu.memref_squeeze %dma_start3A_11 : memref<1x640xi32, #tpu.memory_space<vmem>> -> memref<640xi32, #tpu.memory_space<vmem>>
    %dma_start3A_13 = arith.constant 0 : i32
    %dma_start3A_14 = arith.constant 0 : i32
    %dma_start3A_15 = tpu.memref_slice %arg3[%dma_start3A_13, %dma_start3A_14] : memref<1000000x32xf32, #tpu.memory_space<hbm>> -> memref<1000000x32xf32, #tpu.memory_space<hbm>>
    %dma_start3A_16 = tpu.memref_slice %arg7[%dma_start3A_5] : memref<5x!tpu.dma_semaphore, #tpu.memory_space<semaphore_mem>> -> memref<1x!tpu.dma_semaphore, #tpu.memory_space<semaphore_mem>>
    %dma_start3A_17 = tpu.memref_squeeze %dma_start3A_16 : memref<1x!tpu.dma_semaphore, #tpu.memory_space<semaphore_mem>> -> memref<!tpu.dma_semaphore, #tpu.memory_space<semaphore_mem>>
    tpu.enqueue_indirect_dma source(%dma_start3A_15 : memref<1000000x32xf32, #tpu.memory_space<hbm>>) target(%dma_start3A_9 : memref<640x32xf32, #tpu.memory_space<vmem>>) offsets(%dma_start3A_12 : memref<640xi32, #tpu.memory_space<vmem>>) semaphore(%dma_start3A_17 : memref<!tpu.dma_semaphore, #tpu.memory_space<semaphore_mem>>)
    %run_scoped3A_18 = arith.constant 1 : i32
    %run_scoped3A_19 = arith.constant 1 : i32
    "tpu.region"() ({
      %run_scoped3A_129 = tpu.sem_alloc : memref<!tpu.dma_semaphore, #tpu.memory_space<semaphore_mem>>
      %dma_start3A_130 = arith.constant 0 : i32
      %dma_start3A_131 = tpu.memref_slice %arg5[%run_scoped3A_19, %dma_start3A_130] : memref<5x640xi32, #tpu.memory_space<vmem>> -> memref<1x640xi32, #tpu.memory_space<vmem>>
      %dma_start3A_132 = tpu.memref_squeeze %dma_start3A_131 : memref<1x640xi32, #tpu.memory_space<vmem>> -> memref<640xi32, #tpu.memory_space<vmem>>
      %dma_start3A_133 = arith.constant 0 : i32
      %dma_start3A_134 = tpu.memref_slice %arg2[%add3A, %run_scoped3A_18, %dma_start3A_133] : memref<32x160x640xi32, #tpu.memory_space<hbm>> -> memref<1x1x640xi32, #tpu.memory_space<hbm>>
      %dma_start3A_135 = tpu.memref_squeeze %dma_start3A_134 : memref<1x1x640xi32, #tpu.memory_space<hbm>> -> memref<640xi32, #tpu.memory_space<hbm>>
      %dma_start3A_136 = arith.constant 0 : i32
      %dma_start3A_137 = tpu.memref_slice %arg5[%run_scoped3A_19, %dma_start3A_136] : memref<5x640xi32, #tpu.memory_space<vmem>> -> memref<1x640xi32, #tpu.memory_space<vmem>>
      %dma_start3A_138 = tpu.memref_squeeze %dma_start3A_137 : memref<1x640xi32, #tpu.memory_space<vmem>> -> memref<640xi32, #tpu.memory_space<vmem>>
      %dma_start3A_139 = arith.constant 0 : i32
      %dma_start3A_140 = tpu.memref_slice %arg2[%add3A, %run_scoped3A_18, %dma_start3A_139] : memref<32x160x640xi32, #tpu.memory_space<hbm>> -> memref<1x1x640xi32, #tpu.memory_space<hbm>>
      %dma_start3A_141 = tpu.memref_squeeze %dma_start3A_140 : memref<1x1x640xi32, #tpu.memory_space<hbm>> -> memref<640xi32, #tpu.memory_space<hbm>>
      tpu.enqueue_dma source(%dma_start3A_141 : memref<640xi32, #tpu.memory_space<hbm>>) target(%dma_start3A_138 : memref<640xi32, #tpu.memory_space<vmem>>) target_semaphore(%run_scoped3A_129 : memref<!tpu.dma_semaphore, #tpu.memory_space<semaphore_mem>>)
      %dma_wait3A_142 = arith.constant 0 : i32
      %dma_wait3A_143 = tpu.memref_slice %arg5[%run_scoped3A_19, %dma_wait3A_142] : memref<5x640xi32, #tpu.memory_space<vmem>> -> memref<1x640xi32, #tpu.memory_space<vmem>>
      %dma_wait3A_144 = tpu.memref_squeeze %dma_wait3A_143 : memref<1x640xi32, #tpu.memory_space<vmem>> -> memref<640xi32, #tpu.memory_space<vmem>>
      %dma_wait3A_145 = arith.constant 0 : i32
      %dma_wait3A_146 = tpu.memref_slice %arg2[%add3A, %run_scoped3A_18, %dma_wait3A_145] : memref<32x160x640xi32, #tpu.memory_space<hbm>> -> memref<1x1x640xi32, #tpu.memory_space<hbm>>
      %dma_wait3A_147 = tpu.memref_squeeze %dma_wait3A_146 : memref<1x1x640xi32, #tpu.memory_space<hbm>> -> memref<640xi32, #tpu.memory_space<hbm>>
      %dma_wait3A_148 = arith.constant 0 : i32
      %dma_wait3A_149 = tpu.memref_slice %arg5[%run_scoped3A_19, %dma_wait3A_148] : memref<5x640xi32, #tpu.memory_space<vmem>> -> memref<1x640xi32, #tpu.memory_space<vmem>>
      %dma_wait3A_150 = tpu.memref_squeeze %dma_wait3A_149 : memref<1x640xi32, #tpu.memory_space<vmem>> -> memref<640xi32, #tpu.memory_space<vmem>>
      %dma_wait3A_151 = arith.constant 0 : i32
      %dma_wait3A_152 = tpu.memref_slice %arg2[%add3A, %run_scoped3A_18, %dma_wait3A_151] : memref<32x160x640xi32, #tpu.memory_space<hbm>> -> memref<1x1x640xi32, #tpu.memory_space<hbm>>
      %dma_wait3A_153 = tpu.memref_squeeze %dma_wait3A_152 : memref<1x1x640xi32, #tpu.memory_space<hbm>> -> memref<640xi32, #tpu.memory_space<hbm>>
      tpu.wait_dma2 semaphore(%run_scoped3A_129 : memref<!tpu.dma_semaphore, #tpu.memory_space<semaphore_mem>>) src(%dma_wait3A_153 : memref<640xi32, #tpu.memory_space<hbm>>) dst(%dma_wait3A_150 : memref<640xi32, #tpu.memory_space<vmem>>)
      tpu.yield
    }) : () -> ()
    %dma_start3A_20 = arith.constant 1 : i32
    %dma_start3A_21 = arith.constant 1 : i32
    %dma_start3A_22 = arith.constant 1 : i32
    %dma_start3A_23 = arith.constant 0 : i32
    %dma_start3A_24 = arith.constant 0 : i32
    %dma_start3A_25 = tpu.memref_slice %arg6[%dma_start3A_21, %dma_start3A_23, %dma_start3A_24] : memref<5x640x32xf32, #tpu.memory_space<vmem>> -> memref<1x640x32xf32, #tpu.memory_space<vmem>>
    %dma_start3A_26 = tpu.memref_squeeze %dma_start3A_25 : memref<1x640x32xf32, #tpu.memory_space<vmem>> -> memref<640x32xf32, #tpu.memory_space<vmem>>
    %dma_start3A_27 = arith.constant 0 : i32
    %dma_start3A_28 = tpu.memref_slice %arg5[%dma_start3A_20, %dma_start3A_27] : memref<5x640xi32, #tpu.memory_space<vmem>> -> memref<1x640xi32, #tpu.memory_space<vmem>>
    %dma_start3A_29 = tpu.memref_squeeze %dma_start3A_28 : memref<1x640xi32, #tpu.memory_space<vmem>> -> memref<640xi32, #tpu.memory_space<vmem>>
    %dma_start3A_30 = arith.constant 0 : i32
    %dma_start3A_31 = arith.constant 0 : i32
    %dma_start3A_32 = tpu.memref_slice %arg3[%dma_start3A_30, %dma_start3A_31] : memref<1000000x32xf32, #tpu.memory_space<hbm>> -> memref<1000000x32xf32, #tpu.memory_space<hbm>>
    %dma_start3A_33 = tpu.memref_slice %arg7[%dma_start3A_22] : memref<5x!tpu.dma_semaphore, #tpu.memory_space<semaphore_mem>> -> memref<1x!tpu.dma_semaphore, #tpu.memory_space<semaphore_mem>>
    %dma_start3A_34 = tpu.memref_squeeze %dma_start3A_33 : memref<1x!tpu.dma_semaphore, #tpu.memory_space<semaphore_mem>> -> memref<!tpu.dma_semaphore, #tpu.memory_space<semaphore_mem>>
    tpu.enqueue_indirect_dma source(%dma_start3A_32 : memref<1000000x32xf32, #tpu.memory_space<hbm>>) target(%dma_start3A_26 : memref<640x32xf32, #tpu.memory_space<vmem>>) offsets(%dma_start3A_29 : memref<640xi32, #tpu.memory_space<vmem>>) semaphore(%dma_start3A_34 : memref<!tpu.dma_semaphore, #tpu.memory_space<semaphore_mem>>)
    %scan3A = arith.constant 0 : i32
    %scan3A_35 = arith.constant 0 : i32
    %scan3A_36 = arith.constant 32 : i32
    %scan3A_37 = arith.addi %scan3A_35, %scan3A_36 : i32
    %scan3A_38 = arith.constant 1 : i32
    scf.for %scan3A_129 = %scan3A_35 to %scan3A_37 step %scan3A_38  : i32 {
      %mul3A_130 = arith.constant 5 : i32
      %mul3A_131 = arith.muli %mul3A_130, %scan3A_129 : i32
      %add3A_132 = arith.constant 0 : i32
      %add3A_133 = arith.addi %mul3A_131, %add3A_132 : i32
      %dma_wait3A_134 = arith.constant 0 : i32
      %dma_wait3A_135 = arith.constant 0 : i32
      %dma_wait3A_136 = arith.constant 0 : i32
      %dma_wait3A_137 = arith.constant 0 : i32
      %dma_wait3A_138 = arith.constant 0 : i32
      %dma_wait3A_139 = tpu.memref_slice %arg6[%dma_wait3A_135, %dma_wait3A_137, %dma_wait3A_138] : memref<5x640x32xf32, #tpu.memory_space<vmem>> -> memref<1x640x32xf32, #tpu.memory_space<vmem>>
      %dma_wait3A_140 = tpu.memref_squeeze %dma_wait3A_139 : memref<1x640x32xf32, #tpu.memory_space<vmem>> -> memref<640x32xf32, #tpu.memory_space<vmem>>
      %dma_wait3A_141 = arith.constant 0 : i32
      %dma_wait3A_142 = tpu.memref_slice %arg5[%dma_wait3A_134, %dma_wait3A_141] : memref<5x640xi32, #tpu.memory_space<vmem>> -> memref<1x640xi32, #tpu.memory_space<vmem>>
      %dma_wait3A_143 = tpu.memref_squeeze %dma_wait3A_142 : memref<1x640xi32, #tpu.memory_space<vmem>> -> memref<640xi32, #tpu.memory_space<vmem>>
      %dma_wait3A_144 = arith.constant 0 : i32
      %dma_wait3A_145 = arith.constant 0 : i32
      %dma_wait3A_146 = tpu.memref_slice %arg3[%dma_wait3A_144, %dma_wait3A_145] : memref<1000000x32xf32, #tpu.memory_space<hbm>> -> memref<1000000x32xf32, #tpu.memory_space<hbm>>
      %dma_wait3A_147 = tpu.memref_slice %arg7[%dma_wait3A_136] : memref<5x!tpu.dma_semaphore, #tpu.memory_space<semaphore_mem>> -> memref<1x!tpu.dma_semaphore, #tpu.memory_space<semaphore_mem>>
      %dma_wait3A_148 = tpu.memref_squeeze %dma_wait3A_147 : memref<1x!tpu.dma_semaphore, #tpu.memory_space<semaphore_mem>> -> memref<!tpu.dma_semaphore, #tpu.memory_space<semaphore_mem>>
      tpu.wait_indirect_dma semaphore(%dma_wait3A_148 : memref<!tpu.dma_semaphore, #tpu.memory_space<semaphore_mem>>) src(%dma_wait3A_146 : memref<1000000x32xf32, #tpu.memory_space<hbm>>) dst(%dma_wait3A_140 : memref<640x32xf32, #tpu.memory_space<vmem>>)
      %mul3A_149 = arith.constant 640 : i32
      %mul3A_150 = arith.muli %add3A_133, %mul3A_149 : i32
      %add3A_151 = arith.addi %mul3A_2, %mul3A_150 : i32
      %dma_start3A_152 = arith.constant 0 : i32
      %dma_start3A_153 = arith.constant 0 : i32
      %dma_start3A_154 = arith.constant 0 : i32
      %dma_start3A_155 = arith.constant 0 : i32
      %dma_start3A_156 = tpu.memref_slice %arg6[%dma_start3A_152, %dma_start3A_154, %dma_start3A_155] : memref<5x640x32xf32, #tpu.memory_space<vmem>> -> memref<1x640x32xf32, #tpu.memory_space<vmem>>
      %dma_start3A_157 = tpu.memref_squeeze %dma_start3A_156 : memref<1x640x32xf32, #tpu.memory_space<vmem>> -> memref<640x32xf32, #tpu.memory_space<vmem>>
      %dma_start3A_158 = arith.constant 0 : i32
      %dma_start3A_159 = tpu.memref_slice %arg4[%add3A_151, %dma_start3A_158] : memref<3276800x32xf32, #tpu.memory_space<hbm>> -> memref<640x32xf32, #tpu.memory_space<hbm>>
      %dma_start3A_160 = tpu.memref_slice %arg8[%dma_start3A_153] : memref<5x!tpu.dma_semaphore, #tpu.memory_space<semaphore_mem>> -> memref<1x!tpu.dma_semaphore, #tpu.memory_space<semaphore_mem>>
      %dma_start3A_161 = tpu.memref_squeeze %dma_start3A_160 : memref<1x!tpu.dma_semaphore, #tpu.memory_space<semaphore_mem>> -> memref<!tpu.dma_semaphore, #tpu.memory_space<semaphore_mem>>
      %dma_start3A_162 = arith.constant 0 : i32
      %dma_start3A_163 = tpu.memref_slice %arg4[%add3A_151, %dma_start3A_162] : memref<3276800x32xf32, #tpu.memory_space<hbm>> -> memref<640x32xf32, #tpu.memory_space<hbm>>
      %dma_start3A_164 = arith.constant 0 : i32
      %dma_start3A_165 = arith.constant 0 : i32
      %dma_start3A_166 = tpu.memref_slice %arg6[%dma_start3A_152, %dma_start3A_164, %dma_start3A_165] : memref<5x640x32xf32, #tpu.memory_space<vmem>> -> memref<1x640x32xf32, #tpu.memory_space<vmem>>
      %dma_start3A_167 = tpu.memref_squeeze %dma_start3A_166 : memref<1x640x32xf32, #tpu.memory_space<vmem>> -> memref<640x32xf32, #tpu.memory_space<vmem>>
      tpu.enqueue_dma source(%dma_start3A_167 : memref<640x32xf32, #tpu.memory_space<vmem>>) target(%dma_start3A_163 : memref<640x32xf32, #tpu.memory_space<hbm>>) target_semaphore(%dma_start3A_161 : memref<!tpu.dma_semaphore, #tpu.memory_space<semaphore_mem>>)
      %add3A_168 = arith.constant 2 : i32
      %add3A_169 = arith.addi %add3A_133, %add3A_168 : i32
      %lt3A = arith.constant 160 : i32
      %lt3A_170 = arith.cmpi slt, %add3A_169, %lt3A : i32
      %convert_element_type3A = arith.extui %lt3A_170 : i1 to i32
      %cond3A = arith.constant 0 : i32
      %cond3A_171 = arith.cmpi ne, %convert_element_type3A, %cond3A : i32
      scf.if %cond3A_171 {
        %ge3A = arith.constant 3 : i32
        %ge3A_352 = arith.cmpi sge, %add3A_133, %ge3A : i32
        %convert_element_type3A_353 = arith.extui %ge3A_352 : i1 to i32
        %cond3A_354 = arith.constant 0 : i32
        %cond3A_355 = arith.cmpi ne, %convert_element_type3A_353, %cond3A_354 : i32
        scf.if %cond3A_355 {
          %sub3A = arith.constant 3 : i32
          %sub3A_374 = arith.subi %add3A_133, %sub3A : i32
          %mul3A_375 = arith.constant 640 : i32
          %mul3A_376 = arith.muli %sub3A_374, %mul3A_375 : i32
          %add3A_377 = arith.addi %mul3A_2, %mul3A_376 : i32
          %dma_wait3A_378 = arith.constant 4 : i32
          %dma_wait3A_379 = arith.constant 4 : i32
          %dma_wait3A_380 = arith.constant 0 : i32
          %dma_wait3A_381 = arith.constant 0 : i32
          %dma_wait3A_382 = tpu.memref_slice %arg6[%dma_wait3A_378, %dma_wait3A_380, %dma_wait3A_381] : memref<5x640x32xf32, #tpu.memory_space<vmem>> -> memref<1x640x32xf32, #tpu.memory_space<vmem>>
          %dma_wait3A_383 = tpu.memref_squeeze %dma_wait3A_382 : memref<1x640x32xf32, #tpu.memory_space<vmem>> -> memref<640x32xf32, #tpu.memory_space<vmem>>
          %dma_wait3A_384 = arith.constant 0 : i32
          %dma_wait3A_385 = tpu.memref_slice %arg4[%add3A_377, %dma_wait3A_384] : memref<3276800x32xf32, #tpu.memory_space<hbm>> -> memref<640x32xf32, #tpu.memory_space<hbm>>
          %dma_wait3A_386 = tpu.memref_slice %arg8[%dma_wait3A_379] : memref<5x!tpu.dma_semaphore, #tpu.memory_space<semaphore_mem>> -> memref<1x!tpu.dma_semaphore, #tpu.memory_space<semaphore_mem>>
          %dma_wait3A_387 = tpu.memref_squeeze %dma_wait3A_386 : memref<1x!tpu.dma_semaphore, #tpu.memory_space<semaphore_mem>> -> memref<!tpu.dma_semaphore, #tpu.memory_space<semaphore_mem>>
          %dma_wait3A_388 = arith.constant 0 : i32
          %dma_wait3A_389 = tpu.memref_slice %arg4[%add3A_377, %dma_wait3A_388] : memref<3276800x32xf32, #tpu.memory_space<hbm>> -> memref<640x32xf32, #tpu.memory_space<hbm>>
          %dma_wait3A_390 = arith.constant 0 : i32
          %dma_wait3A_391 = arith.constant 0 : i32
          %dma_wait3A_392 = tpu.memref_slice %arg6[%dma_wait3A_378, %dma_wait3A_390, %dma_wait3A_391] : memref<5x640x32xf32, #tpu.memory_space<vmem>> -> memref<1x640x32xf32, #tpu.memory_space<vmem>>
          %dma_wait3A_393 = tpu.memref_squeeze %dma_wait3A_392 : memref<1x640x32xf32, #tpu.memory_space<vmem>> -> memref<640x32xf32, #tpu.memory_space<vmem>>
          tpu.wait_dma2 semaphore(%dma_wait3A_387 : memref<!tpu.dma_semaphore, #tpu.memory_space<semaphore_mem>>) src(%dma_wait3A_393 : memref<640x32xf32, #tpu.memory_space<vmem>>) dst(%dma_wait3A_389 : memref<640x32xf32, #tpu.memory_space<hbm>>)
        } else {
        }
        %add3A_356 = arith.constant 2 : i32
        %add3A_357 = arith.addi %add3A_133, %add3A_356 : i32
        %run_scoped3A_358 = arith.constant 2 : i32
        "tpu.region"() ({
          %run_scoped3A_374 = tpu.sem_alloc : memref<!tpu.dma_semaphore, #tpu.memory_space<semaphore_mem>>
          %dma_start3A_375 = arith.constant 0 : i32
          %dma_start3A_376 = tpu.memref_slice %arg5[%run_scoped3A_358, %dma_start3A_375] : memref<5x640xi32, #tpu.memory_space<vmem>> -> memref<1x640xi32, #tpu.memory_space<vmem>>
          %dma_start3A_377 = tpu.memref_squeeze %dma_start3A_376 : memref<1x640xi32, #tpu.memory_space<vmem>> -> memref<640xi32, #tpu.memory_space<vmem>>
          %dma_start3A_378 = arith.constant 0 : i32
          %dma_start3A_379 = tpu.memref_slice %arg2[%add3A, %add3A_357, %dma_start3A_378] : memref<32x160x640xi32, #tpu.memory_space<hbm>> -> memref<1x1x640xi32, #tpu.memory_space<hbm>>
          %dma_start3A_380 = tpu.memref_squeeze %dma_start3A_379 : memref<1x1x640xi32, #tpu.memory_space<hbm>> -> memref<640xi32, #tpu.memory_space<hbm>>
          %dma_start3A_381 = arith.constant 0 : i32
          %dma_start3A_382 = tpu.memref_slice %arg5[%run_scoped3A_358, %dma_start3A_381] : memref<5x640xi32, #tpu.memory_space<vmem>> -> memref<1x640xi32, #tpu.memory_space<vmem>>
          %dma_start3A_383 = tpu.memref_squeeze %dma_start3A_382 : memref<1x640xi32, #tpu.memory_space<vmem>> -> memref<640xi32, #tpu.memory_space<vmem>>
          %dma_start3A_384 = arith.constant 0 : i32
          %dma_start3A_385 = tpu.memref_slice %arg2[%add3A, %add3A_357, %dma_start3A_384] : memref<32x160x640xi32, #tpu.memory_space<hbm>> -> memref<1x1x640xi32, #tpu.memory_space<hbm>>
          %dma_start3A_386 = tpu.memref_squeeze %dma_start3A_385 : memref<1x1x640xi32, #tpu.memory_space<hbm>> -> memref<640xi32, #tpu.memory_space<hbm>>
          tpu.enqueue_dma source(%dma_start3A_386 : memref<640xi32, #tpu.memory_space<hbm>>) target(%dma_start3A_383 : memref<640xi32, #tpu.memory_space<vmem>>) target_semaphore(%run_scoped3A_374 : memref<!tpu.dma_semaphore, #tpu.memory_space<semaphore_mem>>)
          %dma_wait3A_387 = arith.constant 0 : i32
          %dma_wait3A_388 = tpu.memref_slice %arg5[%run_scoped3A_358, %dma_wait3A_387] : memref<5x640xi32, #tpu.memory_space<vmem>> -> memref<1x640xi32, #tpu.memory_space<vmem>>
          %dma_wait3A_389 = tpu.memref_squeeze %dma_wait3A_388 : memref<1x640xi32, #tpu.memory_space<vmem>> -> memref<640xi32, #tpu.memory_space<vmem>>
          %dma_wait3A_390 = arith.constant 0 : i32
          %dma_wait3A_391 = tpu.memref_slice %arg2[%add3A, %add3A_357, %dma_wait3A_390] : memref<32x160x640xi32, #tpu.memory_space<hbm>> -> memref<1x1x640xi32, #tpu.memory_space<hbm>>
          %dma_wait3A_392 = tpu.memref_squeeze %dma_wait3A_391 : memref<1x1x640xi32, #tpu.memory_space<hbm>> -> memref<640xi32, #tpu.memory_space<hbm>>
          %dma_wait3A_393 = arith.constant 0 : i32
          %dma_wait3A_394 = tpu.memref_slice %arg5[%run_scoped3A_358, %dma_wait3A_393] : memref<5x640xi32, #tpu.memory_space<vmem>> -> memref<1x640xi32, #tpu.memory_space<vmem>>
          %dma_wait3A_395 = tpu.memref_squeeze %dma_wait3A_394 : memref<1x640xi32, #tpu.memory_space<vmem>> -> memref<640xi32, #tpu.memory_space<vmem>>
          %dma_wait3A_396 = arith.constant 0 : i32
          %dma_wait3A_397 = tpu.memref_slice %arg2[%add3A, %add3A_357, %dma_wait3A_396] : memref<32x160x640xi32, #tpu.memory_space<hbm>> -> memref<1x1x640xi32, #tpu.memory_space<hbm>>
          %dma_wait3A_398 = tpu.memref_squeeze %dma_wait3A_397 : memref<1x1x640xi32, #tpu.memory_space<hbm>> -> memref<640xi32, #tpu.memory_space<hbm>>
          tpu.wait_dma2 semaphore(%run_scoped3A_374 : memref<!tpu.dma_semaphore, #tpu.memory_space<semaphore_mem>>) src(%dma_wait3A_398 : memref<640xi32, #tpu.memory_space<hbm>>) dst(%dma_wait3A_395 : memref<640xi32, #tpu.memory_space<vmem>>)
          tpu.yield
        }) : () -> ()
        %dma_start3A_359 = arith.constant 2 : i32
        %dma_start3A_360 = arith.constant 2 : i32
        %dma_start3A_361 = arith.constant 2 : i32
        %dma_start3A_362 = arith.constant 0 : i32
        %dma_start3A_363 = arith.constant 0 : i32
        %dma_start3A_364 = tpu.memref_slice %arg6[%dma_start3A_360, %dma_start3A_362, %dma_start3A_363] : memref<5x640x32xf32, #tpu.memory_space<vmem>> -> memref<1x640x32xf32, #tpu.memory_space<vmem>>
        %dma_start3A_365 = tpu.memref_squeeze %dma_start3A_364 : memref<1x640x32xf32, #tpu.memory_space<vmem>> -> memref<640x32xf32, #tpu.memory_space<vmem>>
        %dma_start3A_366 = arith.constant 0 : i32
        %dma_start3A_367 = tpu.memref_slice %arg5[%dma_start3A_359, %dma_start3A_366] : memref<5x640xi32, #tpu.memory_space<vmem>> -> memref<1x640xi32, #tpu.memory_space<vmem>>
        %dma_start3A_368 = tpu.memref_squeeze %dma_start3A_367 : memref<1x640xi32, #tpu.memory_space<vmem>> -> memref<640xi32, #tpu.memory_space<vmem>>
        %dma_start3A_369 = arith.constant 0 : i32
        %dma_start3A_370 = arith.constant 0 : i32
        %dma_start3A_371 = tpu.memref_slice %arg3[%dma_start3A_369, %dma_start3A_370] : memref<1000000x32xf32, #tpu.memory_space<hbm>> -> memref<1000000x32xf32, #tpu.memory_space<hbm>>
        %dma_start3A_372 = tpu.memref_slice %arg7[%dma_start3A_361] : memref<5x!tpu.dma_semaphore, #tpu.memory_space<semaphore_mem>> -> memref<1x!tpu.dma_semaphore, #tpu.memory_space<semaphore_mem>>
        %dma_start3A_373 = tpu.memref_squeeze %dma_start3A_372 : memref<1x!tpu.dma_semaphore, #tpu.memory_space<semaphore_mem>> -> memref<!tpu.dma_semaphore, #tpu.memory_space<semaphore_mem>>
        tpu.enqueue_indirect_dma source(%dma_start3A_371 : memref<1000000x32xf32, #tpu.memory_space<hbm>>) target(%dma_start3A_365 : memref<640x32xf32, #tpu.memory_space<vmem>>) offsets(%dma_start3A_368 : memref<640xi32, #tpu.memory_space<vmem>>) semaphore(%dma_start3A_373 : memref<!tpu.dma_semaphore, #tpu.memory_space<semaphore_mem>>)
      } else {
      }
      %mul3A_172 = arith.constant 5 : i32
      %mul3A_173 = arith.muli %mul3A_172, %scan3A_129 : i32
      %add3A_174 = arith.constant 1 : i32
      %add3A_175 = arith.addi %mul3A_173, %add3A_174 : i32
      %dma_wait3A_176 = arith.constant 1 : i32
      %dma_wait3A_177 = arith.constant 1 : i32
      %dma_wait3A_178 = arith.constant 1 : i32
      %dma_wait3A_179 = arith.constant 0 : i32
      %dma_wait3A_180 = arith.constant 0 : i32
      %dma_wait3A_181 = tpu.memref_slice %arg6[%dma_wait3A_177, %dma_wait3A_179, %dma_wait3A_180] : memref<5x640x32xf32, #tpu.memory_space<vmem>> -> memref<1x640x32xf32, #tpu.memory_space<vmem>>
      %dma_wait3A_182 = tpu.memref_squeeze %dma_wait3A_181 : memref<1x640x32xf32, #tpu.memory_space<vmem>> -> memref<640x32xf32, #tpu.memory_space<vmem>>
      %dma_wait3A_183 = arith.constant 0 : i32
      %dma_wait3A_184 = tpu.memref_slice %arg5[%dma_wait3A_176, %dma_wait3A_183] : memref<5x640xi32, #tpu.memory_space<vmem>> -> memref<1x640xi32, #tpu.memory_space<vmem>>
      %dma_wait3A_185 = tpu.memref_squeeze %dma_wait3A_184 : memref<1x640xi32, #tpu.memory_space<vmem>> -> memref<640xi32, #tpu.memory_space<vmem>>
      %dma_wait3A_186 = arith.constant 0 : i32
      %dma_wait3A_187 = arith.constant 0 : i32
      %dma_wait3A_188 = tpu.memref_slice %arg3[%dma_wait3A_186, %dma_wait3A_187] : memref<1000000x32xf32, #tpu.memory_space<hbm>> -> memref<1000000x32xf32, #tpu.memory_space<hbm>>
      %dma_wait3A_189 = tpu.memref_slice %arg7[%dma_wait3A_178] : memref<5x!tpu.dma_semaphore, #tpu.memory_space<semaphore_mem>> -> memref<1x!tpu.dma_semaphore, #tpu.memory_space<semaphore_mem>>
      %dma_wait3A_190 = tpu.memref_squeeze %dma_wait3A_189 : memref<1x!tpu.dma_semaphore, #tpu.memory_space<semaphore_mem>> -> memref<!tpu.dma_semaphore, #tpu.memory_space<semaphore_mem>>
      tpu.wait_indirect_dma semaphore(%dma_wait3A_190 : memref<!tpu.dma_semaphore, #tpu.memory_space<semaphore_mem>>) src(%dma_wait3A_188 : memref<1000000x32xf32, #tpu.memory_space<hbm>>) dst(%dma_wait3A_182 : memref<640x32xf32, #tpu.memory_space<vmem>>)
      %mul3A_191 = arith.constant 640 : i32
      %mul3A_192 = arith.muli %add3A_175, %mul3A_191 : i32
      %add3A_193 = arith.addi %mul3A_2, %mul3A_192 : i32
      %dma_start3A_194 = arith.constant 1 : i32
      %dma_start3A_195 = arith.constant 1 : i32
      %dma_start3A_196 = arith.constant 0 : i32
      %dma_start3A_197 = arith.constant 0 : i32
      %dma_start3A_198 = tpu.memref_slice %arg6[%dma_start3A_194, %dma_start3A_196, %dma_start3A_197] : memref<5x640x32xf32, #tpu.memory_space<vmem>> -> memref<1x640x32xf32, #tpu.memory_space<vmem>>
      %dma_start3A_199 = tpu.memref_squeeze %dma_start3A_198 : memref<1x640x32xf32, #tpu.memory_space<vmem>> -> memref<640x32xf32, #tpu.memory_space<vmem>>
      %dma_start3A_200 = arith.constant 0 : i32
      %dma_start3A_201 = tpu.memref_slice %arg4[%add3A_193, %dma_start3A_200] : memref<3276800x32xf32, #tpu.memory_space<hbm>> -> memref<640x32xf32, #tpu.memory_space<hbm>>
      %dma_start3A_202 = tpu.memref_slice %arg8[%dma_start3A_195] : memref<5x!tpu.dma_semaphore, #tpu.memory_space<semaphore_mem>> -> memref<1x!tpu.dma_semaphore, #tpu.memory_space<semaphore_mem>>
      %dma_start3A_203 = tpu.memref_squeeze %dma_start3A_202 : memref<1x!tpu.dma_semaphore, #tpu.memory_space<semaphore_mem>> -> memref<!tpu.dma_semaphore, #tpu.memory_space<semaphore_mem>>
      %dma_start3A_204 = arith.constant 0 : i32
      %dma_start3A_205 = tpu.memref_slice %arg4[%add3A_193, %dma_start3A_204] : memref<3276800x32xf32, #tpu.memory_space<hbm>> -> memref<640x32xf32, #tpu.memory_space<hbm>>
      %dma_start3A_206 = arith.constant 0 : i32
      %dma_start3A_207 = arith.constant 0 : i32
      %dma_start3A_208 = tpu.memref_slice %arg6[%dma_start3A_194, %dma_start3A_206, %dma_start3A_207] : memref<5x640x32xf32, #tpu.memory_space<vmem>> -> memref<1x640x32xf32, #tpu.memory_space<vmem>>
      %dma_start3A_209 = tpu.memref_squeeze %dma_start3A_208 : memref<1x640x32xf32, #tpu.memory_space<vmem>> -> memref<640x32xf32, #tpu.memory_space<vmem>>
      tpu.enqueue_dma source(%dma_start3A_209 : memref<640x32xf32, #tpu.memory_space<vmem>>) target(%dma_start3A_205 : memref<640x32xf32, #tpu.memory_space<hbm>>) target_semaphore(%dma_start3A_203 : memref<!tpu.dma_semaphore, #tpu.memory_space<semaphore_mem>>)
      %add3A_210 = arith.constant 2 : i32
      %add3A_211 = arith.addi %add3A_175, %add3A_210 : i32
      %lt3A_212 = arith.constant 160 : i32
      %lt3A_213 = arith.cmpi slt, %add3A_211, %lt3A_212 : i32
      %convert_element_type3A_214 = arith.extui %lt3A_213 : i1 to i32
      %cond3A_215 = arith.constant 0 : i32
      %cond3A_216 = arith.cmpi ne, %convert_element_type3A_214, %cond3A_215 : i32
      scf.if %cond3A_216 {
        %ge3A = arith.constant 3 : i32
        %ge3A_352 = arith.cmpi sge, %add3A_175, %ge3A : i32
        %convert_element_type3A_353 = arith.extui %ge3A_352 : i1 to i32
        %cond3A_354 = arith.constant 0 : i32
        %cond3A_355 = arith.cmpi ne, %convert_element_type3A_353, %cond3A_354 : i32
        scf.if %cond3A_355 {
          %sub3A = arith.constant 3 : i32
          %sub3A_374 = arith.subi %add3A_175, %sub3A : i32
          %mul3A_375 = arith.constant 640 : i32
          %mul3A_376 = arith.muli %sub3A_374, %mul3A_375 : i32
          %add3A_377 = arith.addi %mul3A_2, %mul3A_376 : i32
          %dma_wait3A_378 = arith.constant 0 : i32
          %dma_wait3A_379 = arith.constant 0 : i32
          %dma_wait3A_380 = arith.constant 0 : i32
          %dma_wait3A_381 = arith.constant 0 : i32
          %dma_wait3A_382 = tpu.memref_slice %arg6[%dma_wait3A_378, %dma_wait3A_380, %dma_wait3A_381] : memref<5x640x32xf32, #tpu.memory_space<vmem>> -> memref<1x640x32xf32, #tpu.memory_space<vmem>>
          %dma_wait3A_383 = tpu.memref_squeeze %dma_wait3A_382 : memref<1x640x32xf32, #tpu.memory_space<vmem>> -> memref<640x32xf32, #tpu.memory_space<vmem>>
          %dma_wait3A_384 = arith.constant 0 : i32
          %dma_wait3A_385 = tpu.memref_slice %arg4[%add3A_377, %dma_wait3A_384] : memref<3276800x32xf32, #tpu.memory_space<hbm>> -> memref<640x32xf32, #tpu.memory_space<hbm>>
          %dma_wait3A_386 = tpu.memref_slice %arg8[%dma_wait3A_379] : memref<5x!tpu.dma_semaphore, #tpu.memory_space<semaphore_mem>> -> memref<1x!tpu.dma_semaphore, #tpu.memory_space<semaphore_mem>>
          %dma_wait3A_387 = tpu.memref_squeeze %dma_wait3A_386 : memref<1x!tpu.dma_semaphore, #tpu.memory_space<semaphore_mem>> -> memref<!tpu.dma_semaphore, #tpu.memory_space<semaphore_mem>>
          %dma_wait3A_388 = arith.constant 0 : i32
          %dma_wait3A_389 = tpu.memref_slice %arg4[%add3A_377, %dma_wait3A_388] : memref<3276800x32xf32, #tpu.memory_space<hbm>> -> memref<640x32xf32, #tpu.memory_space<hbm>>
          %dma_wait3A_390 = arith.constant 0 : i32
          %dma_wait3A_391 = arith.constant 0 : i32
          %dma_wait3A_392 = tpu.memref_slice %arg6[%dma_wait3A_378, %dma_wait3A_390, %dma_wait3A_391] : memref<5x640x32xf32, #tpu.memory_space<vmem>> -> memref<1x640x32xf32, #tpu.memory_space<vmem>>
          %dma_wait3A_393 = tpu.memref_squeeze %dma_wait3A_392 : memref<1x640x32xf32, #tpu.memory_space<vmem>> -> memref<640x32xf32, #tpu.memory_space<vmem>>
          tpu.wait_dma2 semaphore(%dma_wait3A_387 : memref<!tpu.dma_semaphore, #tpu.memory_space<semaphore_mem>>) src(%dma_wait3A_393 : memref<640x32xf32, #tpu.memory_space<vmem>>) dst(%dma_wait3A_389 : memref<640x32xf32, #tpu.memory_space<hbm>>)
        } else {
        }
        %add3A_356 = arith.constant 2 : i32
        %add3A_357 = arith.addi %add3A_175, %add3A_356 : i32
        %run_scoped3A_358 = arith.constant 3 : i32
        "tpu.region"() ({
          %run_scoped3A_374 = tpu.sem_alloc : memref<!tpu.dma_semaphore, #tpu.memory_space<semaphore_mem>>
          %dma_start3A_375 = arith.constant 0 : i32
          %dma_start3A_376 = tpu.memref_slice %arg5[%run_scoped3A_358, %dma_start3A_375] : memref<5x640xi32, #tpu.memory_space<vmem>> -> memref<1x640xi32, #tpu.memory_space<vmem>>
          %dma_start3A_377 = tpu.memref_squeeze %dma_start3A_376 : memref<1x640xi32, #tpu.memory_space<vmem>> -> memref<640xi32, #tpu.memory_space<vmem>>
          %dma_start3A_378 = arith.constant 0 : i32
          %dma_start3A_379 = tpu.memref_slice %arg2[%add3A, %add3A_357, %dma_start3A_378] : memref<32x160x640xi32, #tpu.memory_space<hbm>> -> memref<1x1x640xi32, #tpu.memory_space<hbm>>
          %dma_start3A_380 = tpu.memref_squeeze %dma_start3A_379 : memref<1x1x640xi32, #tpu.memory_space<hbm>> -> memref<640xi32, #tpu.memory_space<hbm>>
          %dma_start3A_381 = arith.constant 0 : i32
          %dma_start3A_382 = tpu.memref_slice %arg5[%run_scoped3A_358, %dma_start3A_381] : memref<5x640xi32, #tpu.memory_space<vmem>> -> memref<1x640xi32, #tpu.memory_space<vmem>>
          %dma_start3A_383 = tpu.memref_squeeze %dma_start3A_382 : memref<1x640xi32, #tpu.memory_space<vmem>> -> memref<640xi32, #tpu.memory_space<vmem>>
          %dma_start3A_384 = arith.constant 0 : i32
          %dma_start3A_385 = tpu.memref_slice %arg2[%add3A, %add3A_357, %dma_start3A_384] : memref<32x160x640xi32, #tpu.memory_space<hbm>> -> memref<1x1x640xi32, #tpu.memory_space<hbm>>
          %dma_start3A_386 = tpu.memref_squeeze %dma_start3A_385 : memref<1x1x640xi32, #tpu.memory_space<hbm>> -> memref<640xi32, #tpu.memory_space<hbm>>
          tpu.enqueue_dma source(%dma_start3A_386 : memref<640xi32, #tpu.memory_space<hbm>>) target(%dma_start3A_383 : memref<640xi32, #tpu.memory_space<vmem>>) target_semaphore(%run_scoped3A_374 : memref<!tpu.dma_semaphore, #tpu.memory_space<semaphore_mem>>)
          %dma_wait3A_387 = arith.constant 0 : i32
          %dma_wait3A_388 = tpu.memref_slice %arg5[%run_scoped3A_358, %dma_wait3A_387] : memref<5x640xi32, #tpu.memory_space<vmem>> -> memref<1x640xi32, #tpu.memory_space<vmem>>
          %dma_wait3A_389 = tpu.memref_squeeze %dma_wait3A_388 : memref<1x640xi32, #tpu.memory_space<vmem>> -> memref<640xi32, #tpu.memory_space<vmem>>
          %dma_wait3A_390 = arith.constant 0 : i32
          %dma_wait3A_391 = tpu.memref_slice %arg2[%add3A, %add3A_357, %dma_wait3A_390] : memref<32x160x640xi32, #tpu.memory_space<hbm>> -> memref<1x1x640xi32, #tpu.memory_space<hbm>>
          %dma_wait3A_392 = tpu.memref_squeeze %dma_wait3A_391 : memref<1x1x640xi32, #tpu.memory_space<hbm>> -> memref<640xi32, #tpu.memory_space<hbm>>
          %dma_wait3A_393 = arith.constant 0 : i32
          %dma_wait3A_394 = tpu.memref_slice %arg5[%run_scoped3A_358, %dma_wait3A_393] : memref<5x640xi32, #tpu.memory_space<vmem>> -> memref<1x640xi32, #tpu.memory_space<vmem>>
          %dma_wait3A_395 = tpu.memref_squeeze %dma_wait3A_394 : memref<1x640xi32, #tpu.memory_space<vmem>> -> memref<640xi32, #tpu.memory_space<vmem>>
          %dma_wait3A_396 = arith.constant 0 : i32
          %dma_wait3A_397 = tpu.memref_slice %arg2[%add3A, %add3A_357, %dma_wait3A_396] : memref<32x160x640xi32, #tpu.memory_space<hbm>> -> memref<1x1x640xi32, #tpu.memory_space<hbm>>
          %dma_wait3A_398 = tpu.memref_squeeze %dma_wait3A_397 : memref<1x1x640xi32, #tpu.memory_space<hbm>> -> memref<640xi32, #tpu.memory_space<hbm>>
          tpu.wait_dma2 semaphore(%run_scoped3A_374 : memref<!tpu.dma_semaphore, #tpu.memory_space<semaphore_mem>>) src(%dma_wait3A_398 : memref<640xi32, #tpu.memory_space<hbm>>) dst(%dma_wait3A_395 : memref<640xi32, #tpu.memory_space<vmem>>)
          tpu.yield
        }) : () -> ()
        %dma_start3A_359 = arith.constant 3 : i32
        %dma_start3A_360 = arith.constant 3 : i32
        %dma_start3A_361 = arith.constant 3 : i32
        %dma_start3A_362 = arith.constant 0 : i32
        %dma_start3A_363 = arith.constant 0 : i32
        %dma_start3A_364 = tpu.memref_slice %arg6[%dma_start3A_360, %dma_start3A_362, %dma_start3A_363] : memref<5x640x32xf32, #tpu.memory_space<vmem>> -> memref<1x640x32xf32, #tpu.memory_space<vmem>>
        %dma_start3A_365 = tpu.memref_squeeze %dma_start3A_364 : memref<1x640x32xf32, #tpu.memory_space<vmem>> -> memref<640x32xf32, #tpu.memory_space<vmem>>
        %dma_start3A_366 = arith.constant 0 : i32
        %dma_start3A_367 = tpu.memref_slice %arg5[%dma_start3A_359, %dma_start3A_366] : memref<5x640xi32, #tpu.memory_space<vmem>> -> memref<1x640xi32, #tpu.memory_space<vmem>>
        %dma_start3A_368 = tpu.memref_squeeze %dma_start3A_367 : memref<1x640xi32, #tpu.memory_space<vmem>> -> memref<640xi32, #tpu.memory_space<vmem>>
        %dma_start3A_369 = arith.constant 0 : i32
        %dma_start3A_370 = arith.constant 0 : i32
        %dma_start3A_371 = tpu.memref_slice %arg3[%dma_start3A_369, %dma_start3A_370] : memref<1000000x32xf32, #tpu.memory_space<hbm>> -> memref<1000000x32xf32, #tpu.memory_space<hbm>>
        %dma_start3A_372 = tpu.memref_slice %arg7[%dma_start3A_361] : memref<5x!tpu.dma_semaphore, #tpu.memory_space<semaphore_mem>> -> memref<1x!tpu.dma_semaphore, #tpu.memory_space<semaphore_mem>>
        %dma_start3A_373 = tpu.memref_squeeze %dma_start3A_372 : memref<1x!tpu.dma_semaphore, #tpu.memory_space<semaphore_mem>> -> memref<!tpu.dma_semaphore, #tpu.memory_space<semaphore_mem>>
        tpu.enqueue_indirect_dma source(%dma_start3A_371 : memref<1000000x32xf32, #tpu.memory_space<hbm>>) target(%dma_start3A_365 : memref<640x32xf32, #tpu.memory_space<vmem>>) offsets(%dma_start3A_368 : memref<640xi32, #tpu.memory_space<vmem>>) semaphore(%dma_start3A_373 : memref<!tpu.dma_semaphore, #tpu.memory_space<semaphore_mem>>)
      } else {
      }
      %mul3A_217 = arith.constant 5 : i32
      %mul3A_218 = arith.muli %mul3A_217, %scan3A_129 : i32
      %add3A_219 = arith.constant 2 : i32
      %add3A_220 = arith.addi %mul3A_218, %add3A_219 : i32
      %dma_wait3A_221 = arith.constant 2 : i32
      %dma_wait3A_222 = arith.constant 2 : i32
      %dma_wait3A_223 = arith.constant 2 : i32
      %dma_wait3A_224 = arith.constant 0 : i32
      %dma_wait3A_225 = arith.constant 0 : i32
      %dma_wait3A_226 = tpu.memref_slice %arg6[%dma_wait3A_222, %dma_wait3A_224, %dma_wait3A_225] : memref<5x640x32xf32, #tpu.memory_space<vmem>> -> memref<1x640x32xf32, #tpu.memory_space<vmem>>
      %dma_wait3A_227 = tpu.memref_squeeze %dma_wait3A_226 : memref<1x640x32xf32, #tpu.memory_space<vmem>> -> memref<640x32xf32, #tpu.memory_space<vmem>>
      %dma_wait3A_228 = arith.constant 0 : i32
      %dma_wait3A_229 = tpu.memref_slice %arg5[%dma_wait3A_221, %dma_wait3A_228] : memref<5x640xi32, #tpu.memory_space<vmem>> -> memref<1x640xi32, #tpu.memory_space<vmem>>
      %dma_wait3A_230 = tpu.memref_squeeze %dma_wait3A_229 : memref<1x640xi32, #tpu.memory_space<vmem>> -> memref<640xi32, #tpu.memory_space<vmem>>
      %dma_wait3A_231 = arith.constant 0 : i32
      %dma_wait3A_232 = arith.constant 0 : i32
      %dma_wait3A_233 = tpu.memref_slice %arg3[%dma_wait3A_231, %dma_wait3A_232] : memref<1000000x32xf32, #tpu.memory_space<hbm>> -> memref<1000000x32xf32, #tpu.memory_space<hbm>>
      %dma_wait3A_234 = tpu.memref_slice %arg7[%dma_wait3A_223] : memref<5x!tpu.dma_semaphore, #tpu.memory_space<semaphore_mem>> -> memref<1x!tpu.dma_semaphore, #tpu.memory_space<semaphore_mem>>
      %dma_wait3A_235 = tpu.memref_squeeze %dma_wait3A_234 : memref<1x!tpu.dma_semaphore, #tpu.memory_space<semaphore_mem>> -> memref<!tpu.dma_semaphore, #tpu.memory_space<semaphore_mem>>
      tpu.wait_indirect_dma semaphore(%dma_wait3A_235 : memref<!tpu.dma_semaphore, #tpu.memory_space<semaphore_mem>>) src(%dma_wait3A_233 : memref<1000000x32xf32, #tpu.memory_space<hbm>>) dst(%dma_wait3A_227 : memref<640x32xf32, #tpu.memory_space<vmem>>)
      %mul3A_236 = arith.constant 640 : i32
      %mul3A_237 = arith.muli %add3A_220, %mul3A_236 : i32
      %add3A_238 = arith.addi %mul3A_2, %mul3A_237 : i32
      %dma_start3A_239 = arith.constant 2 : i32
      %dma_start3A_240 = arith.constant 2 : i32
      %dma_start3A_241 = arith.constant 0 : i32
      %dma_start3A_242 = arith.constant 0 : i32
      %dma_start3A_243 = tpu.memref_slice %arg6[%dma_start3A_239, %dma_start3A_241, %dma_start3A_242] : memref<5x640x32xf32, #tpu.memory_space<vmem>> -> memref<1x640x32xf32, #tpu.memory_space<vmem>>
      %dma_start3A_244 = tpu.memref_squeeze %dma_start3A_243 : memref<1x640x32xf32, #tpu.memory_space<vmem>> -> memref<640x32xf32, #tpu.memory_space<vmem>>
      %dma_start3A_245 = arith.constant 0 : i32
      %dma_start3A_246 = tpu.memref_slice %arg4[%add3A_238, %dma_start3A_245] : memref<3276800x32xf32, #tpu.memory_space<hbm>> -> memref<640x32xf32, #tpu.memory_space<hbm>>
      %dma_start3A_247 = tpu.memref_slice %arg8[%dma_start3A_240] : memref<5x!tpu.dma_semaphore, #tpu.memory_space<semaphore_mem>> -> memref<1x!tpu.dma_semaphore, #tpu.memory_space<semaphore_mem>>
      %dma_start3A_248 = tpu.memref_squeeze %dma_start3A_247 : memref<1x!tpu.dma_semaphore, #tpu.memory_space<semaphore_mem>> -> memref<!tpu.dma_semaphore, #tpu.memory_space<semaphore_mem>>
      %dma_start3A_249 = arith.constant 0 : i32
      %dma_start3A_250 = tpu.memref_slice %arg4[%add3A_238, %dma_start3A_249] : memref<3276800x32xf32, #tpu.memory_space<hbm>> -> memref<640x32xf32, #tpu.memory_space<hbm>>
      %dma_start3A_251 = arith.constant 0 : i32
      %dma_start3A_252 = arith.constant 0 : i32
      %dma_start3A_253 = tpu.memref_slice %arg6[%dma_start3A_239, %dma_start3A_251, %dma_start3A_252] : memref<5x640x32xf32, #tpu.memory_space<vmem>> -> memref<1x640x32xf32, #tpu.memory_space<vmem>>
      %dma_start3A_254 = tpu.memref_squeeze %dma_start3A_253 : memref<1x640x32xf32, #tpu.memory_space<vmem>> -> memref<640x32xf32, #tpu.memory_space<vmem>>
      tpu.enqueue_dma source(%dma_start3A_254 : memref<640x32xf32, #tpu.memory_space<vmem>>) target(%dma_start3A_250 : memref<640x32xf32, #tpu.memory_space<hbm>>) target_semaphore(%dma_start3A_248 : memref<!tpu.dma_semaphore, #tpu.memory_space<semaphore_mem>>)
      %add3A_255 = arith.constant 2 : i32
      %add3A_256 = arith.addi %add3A_220, %add3A_255 : i32
      %lt3A_257 = arith.constant 160 : i32
      %lt3A_258 = arith.cmpi slt, %add3A_256, %lt3A_257 : i32
      %convert_element_type3A_259 = arith.extui %lt3A_258 : i1 to i32
      %cond3A_260 = arith.constant 0 : i32
      %cond3A_261 = arith.cmpi ne, %convert_element_type3A_259, %cond3A_260 : i32
      scf.if %cond3A_261 {
        %ge3A = arith.constant 3 : i32
        %ge3A_352 = arith.cmpi sge, %add3A_220, %ge3A : i32
        %convert_element_type3A_353 = arith.extui %ge3A_352 : i1 to i32
        %cond3A_354 = arith.constant 0 : i32
        %cond3A_355 = arith.cmpi ne, %convert_element_type3A_353, %cond3A_354 : i32
        scf.if %cond3A_355 {
          %sub3A = arith.constant 3 : i32
          %sub3A_374 = arith.subi %add3A_220, %sub3A : i32
          %mul3A_375 = arith.constant 640 : i32
          %mul3A_376 = arith.muli %sub3A_374, %mul3A_375 : i32
          %add3A_377 = arith.addi %mul3A_2, %mul3A_376 : i32
          %dma_wait3A_378 = arith.constant 1 : i32
          %dma_wait3A_379 = arith.constant 1 : i32
          %dma_wait3A_380 = arith.constant 0 : i32
          %dma_wait3A_381 = arith.constant 0 : i32
          %dma_wait3A_382 = tpu.memref_slice %arg6[%dma_wait3A_378, %dma_wait3A_380, %dma_wait3A_381] : memref<5x640x32xf32, #tpu.memory_space<vmem>> -> memref<1x640x32xf32, #tpu.memory_space<vmem>>
          %dma_wait3A_383 = tpu.memref_squeeze %dma_wait3A_382 : memref<1x640x32xf32, #tpu.memory_space<vmem>> -> memref<640x32xf32, #tpu.memory_space<vmem>>
          %dma_wait3A_384 = arith.constant 0 : i32
          %dma_wait3A_385 = tpu.memref_slice %arg4[%add3A_377, %dma_wait3A_384] : memref<3276800x32xf32, #tpu.memory_space<hbm>> -> memref<640x32xf32, #tpu.memory_space<hbm>>
          %dma_wait3A_386 = tpu.memref_slice %arg8[%dma_wait3A_379] : memref<5x!tpu.dma_semaphore, #tpu.memory_space<semaphore_mem>> -> memref<1x!tpu.dma_semaphore, #tpu.memory_space<semaphore_mem>>
          %dma_wait3A_387 = tpu.memref_squeeze %dma_wait3A_386 : memref<1x!tpu.dma_semaphore, #tpu.memory_space<semaphore_mem>> -> memref<!tpu.dma_semaphore, #tpu.memory_space<semaphore_mem>>
          %dma_wait3A_388 = arith.constant 0 : i32
          %dma_wait3A_389 = tpu.memref_slice %arg4[%add3A_377, %dma_wait3A_388] : memref<3276800x32xf32, #tpu.memory_space<hbm>> -> memref<640x32xf32, #tpu.memory_space<hbm>>
          %dma_wait3A_390 = arith.constant 0 : i32
          %dma_wait3A_391 = arith.constant 0 : i32
          %dma_wait3A_392 = tpu.memref_slice %arg6[%dma_wait3A_378, %dma_wait3A_390, %dma_wait3A_391] : memref<5x640x32xf32, #tpu.memory_space<vmem>> -> memref<1x640x32xf32, #tpu.memory_space<vmem>>
          %dma_wait3A_393 = tpu.memref_squeeze %dma_wait3A_392 : memref<1x640x32xf32, #tpu.memory_space<vmem>> -> memref<640x32xf32, #tpu.memory_space<vmem>>
          tpu.wait_dma2 semaphore(%dma_wait3A_387 : memref<!tpu.dma_semaphore, #tpu.memory_space<semaphore_mem>>) src(%dma_wait3A_393 : memref<640x32xf32, #tpu.memory_space<vmem>>) dst(%dma_wait3A_389 : memref<640x32xf32, #tpu.memory_space<hbm>>)
        } else {
        }
        %add3A_356 = arith.constant 2 : i32
        %add3A_357 = arith.addi %add3A_220, %add3A_356 : i32
        %run_scoped3A_358 = arith.constant 4 : i32
        "tpu.region"() ({
          %run_scoped3A_374 = tpu.sem_alloc : memref<!tpu.dma_semaphore, #tpu.memory_space<semaphore_mem>>
          %dma_start3A_375 = arith.constant 0 : i32
          %dma_start3A_376 = tpu.memref_slice %arg5[%run_scoped3A_358, %dma_start3A_375] : memref<5x640xi32, #tpu.memory_space<vmem>> -> memref<1x640xi32, #tpu.memory_space<vmem>>
          %dma_start3A_377 = tpu.memref_squeeze %dma_start3A_376 : memref<1x640xi32, #tpu.memory_space<vmem>> -> memref<640xi32, #tpu.memory_space<vmem>>
          %dma_start3A_378 = arith.constant 0 : i32
          %dma_start3A_379 = tpu.memref_slice %arg2[%add3A, %add3A_357, %dma_start3A_378] : memref<32x160x640xi32, #tpu.memory_space<hbm>> -> memref<1x1x640xi32, #tpu.memory_space<hbm>>
          %dma_start3A_380 = tpu.memref_squeeze %dma_start3A_379 : memref<1x1x640xi32, #tpu.memory_space<hbm>> -> memref<640xi32, #tpu.memory_space<hbm>>
          %dma_start3A_381 = arith.constant 0 : i32
          %dma_start3A_382 = tpu.memref_slice %arg5[%run_scoped3A_358, %dma_start3A_381] : memref<5x640xi32, #tpu.memory_space<vmem>> -> memref<1x640xi32, #tpu.memory_space<vmem>>
          %dma_start3A_383 = tpu.memref_squeeze %dma_start3A_382 : memref<1x640xi32, #tpu.memory_space<vmem>> -> memref<640xi32, #tpu.memory_space<vmem>>
          %dma_start3A_384 = arith.constant 0 : i32
          %dma_start3A_385 = tpu.memref_slice %arg2[%add3A, %add3A_357, %dma_start3A_384] : memref<32x160x640xi32, #tpu.memory_space<hbm>> -> memref<1x1x640xi32, #tpu.memory_space<hbm>>
          %dma_start3A_386 = tpu.memref_squeeze %dma_start3A_385 : memref<1x1x640xi32, #tpu.memory_space<hbm>> -> memref<640xi32, #tpu.memory_space<hbm>>
          tpu.enqueue_dma source(%dma_start3A_386 : memref<640xi32, #tpu.memory_space<hbm>>) target(%dma_start3A_383 : memref<640xi32, #tpu.memory_space<vmem>>) target_semaphore(%run_scoped3A_374 : memref<!tpu.dma_semaphore, #tpu.memory_space<semaphore_mem>>)
          %dma_wait3A_387 = arith.constant 0 : i32
          %dma_wait3A_388 = tpu.memref_slice %arg5[%run_scoped3A_358, %dma_wait3A_387] : memref<5x640xi32, #tpu.memory_space<vmem>> -> memref<1x640xi32, #tpu.memory_space<vmem>>
          %dma_wait3A_389 = tpu.memref_squeeze %dma_wait3A_388 : memref<1x640xi32, #tpu.memory_space<vmem>> -> memref<640xi32, #tpu.memory_space<vmem>>
          %dma_wait3A_390 = arith.constant 0 : i32
          %dma_wait3A_391 = tpu.memref_slice %arg2[%add3A, %add3A_357, %dma_wait3A_390] : memref<32x160x640xi32, #tpu.memory_space<hbm>> -> memref<1x1x640xi32, #tpu.memory_space<hbm>>
          %dma_wait3A_392 = tpu.memref_squeeze %dma_wait3A_391 : memref<1x1x640xi32, #tpu.memory_space<hbm>> -> memref<640xi32, #tpu.memory_space<hbm>>
          %dma_wait3A_393 = arith.constant 0 : i32
          %dma_wait3A_394 = tpu.memref_slice %arg5[%run_scoped3A_358, %dma_wait3A_393] : memref<5x640xi32, #tpu.memory_space<vmem>> -> memref<1x640xi32, #tpu.memory_space<vmem>>
          %dma_wait3A_395 = tpu.memref_squeeze %dma_wait3A_394 : memref<1x640xi32, #tpu.memory_space<vmem>> -> memref<640xi32, #tpu.memory_space<vmem>>
          %dma_wait3A_396 = arith.constant 0 : i32
          %dma_wait3A_397 = tpu.memref_slice %arg2[%add3A, %add3A_357, %dma_wait3A_396] : memref<32x160x640xi32, #tpu.memory_space<hbm>> -> memref<1x1x640xi32, #tpu.memory_space<hbm>>
          %dma_wait3A_398 = tpu.memref_squeeze %dma_wait3A_397 : memref<1x1x640xi32, #tpu.memory_space<hbm>> -> memref<640xi32, #tpu.memory_space<hbm>>
          tpu.wait_dma2 semaphore(%run_scoped3A_374 : memref<!tpu.dma_semaphore, #tpu.memory_space<semaphore_mem>>) src(%dma_wait3A_398 : memref<640xi32, #tpu.memory_space<hbm>>) dst(%dma_wait3A_395 : memref<640xi32, #tpu.memory_space<vmem>>)
          tpu.yield
        }) : () -> ()
        %dma_start3A_359 = arith.constant 4 : i32
        %dma_start3A_360 = arith.constant 4 : i32
        %dma_start3A_361 = arith.constant 4 : i32
        %dma_start3A_362 = arith.constant 0 : i32
        %dma_start3A_363 = arith.constant 0 : i32
        %dma_start3A_364 = tpu.memref_slice %arg6[%dma_start3A_360, %dma_start3A_362, %dma_start3A_363] : memref<5x640x32xf32, #tpu.memory_space<vmem>> -> memref<1x640x32xf32, #tpu.memory_space<vmem>>
        %dma_start3A_365 = tpu.memref_squeeze %dma_start3A_364 : memref<1x640x32xf32, #tpu.memory_space<vmem>> -> memref<640x32xf32, #tpu.memory_space<vmem>>
        %dma_start3A_366 = arith.constant 0 : i32
        %dma_start3A_367 = tpu.memref_slice %arg5[%dma_start3A_359, %dma_start3A_366] : memref<5x640xi32, #tpu.memory_space<vmem>> -> memref<1x640xi32, #tpu.memory_space<vmem>>
        %dma_start3A_368 = tpu.memref_squeeze %dma_start3A_367 : memref<1x640xi32, #tpu.memory_space<vmem>> -> memref<640xi32, #tpu.memory_space<vmem>>
        %dma_start3A_369 = arith.constant 0 : i32
        %dma_start3A_370 = arith.constant 0 : i32
        %dma_start3A_371 = tpu.memref_slice %arg3[%dma_start3A_369, %dma_start3A_370] : memref<1000000x32xf32, #tpu.memory_space<hbm>> -> memref<1000000x32xf32, #tpu.memory_space<hbm>>
        %dma_start3A_372 = tpu.memref_slice %arg7[%dma_start3A_361] : memref<5x!tpu.dma_semaphore, #tpu.memory_space<semaphore_mem>> -> memref<1x!tpu.dma_semaphore, #tpu.memory_space<semaphore_mem>>
        %dma_start3A_373 = tpu.memref_squeeze %dma_start3A_372 : memref<1x!tpu.dma_semaphore, #tpu.memory_space<semaphore_mem>> -> memref<!tpu.dma_semaphore, #tpu.memory_space<semaphore_mem>>
        tpu.enqueue_indirect_dma source(%dma_start3A_371 : memref<1000000x32xf32, #tpu.memory_space<hbm>>) target(%dma_start3A_365 : memref<640x32xf32, #tpu.memory_space<vmem>>) offsets(%dma_start3A_368 : memref<640xi32, #tpu.memory_space<vmem>>) semaphore(%dma_start3A_373 : memref<!tpu.dma_semaphore, #tpu.memory_space<semaphore_mem>>)
      } else {
      }
      %mul3A_262 = arith.constant 5 : i32
      %mul3A_263 = arith.muli %mul3A_262, %scan3A_129 : i32
      %add3A_264 = arith.constant 3 : i32
      %add3A_265 = arith.addi %mul3A_263, %add3A_264 : i32
      %dma_wait3A_266 = arith.constant 3 : i32
      %dma_wait3A_267 = arith.constant 3 : i32
      %dma_wait3A_268 = arith.constant 3 : i32
      %dma_wait3A_269 = arith.constant 0 : i32
      %dma_wait3A_270 = arith.constant 0 : i32
      %dma_wait3A_271 = tpu.memref_slice %arg6[%dma_wait3A_267, %dma_wait3A_269, %dma_wait3A_270] : memref<5x640x32xf32, #tpu.memory_space<vmem>> -> memref<1x640x32xf32, #tpu.memory_space<vmem>>
      %dma_wait3A_272 = tpu.memref_squeeze %dma_wait3A_271 : memref<1x640x32xf32, #tpu.memory_space<vmem>> -> memref<640x32xf32, #tpu.memory_space<vmem>>
      %dma_wait3A_273 = arith.constant 0 : i32
      %dma_wait3A_274 = tpu.memref_slice %arg5[%dma_wait3A_266, %dma_wait3A_273] : memref<5x640xi32, #tpu.memory_space<vmem>> -> memref<1x640xi32, #tpu.memory_space<vmem>>
      %dma_wait3A_275 = tpu.memref_squeeze %dma_wait3A_274 : memref<1x640xi32, #tpu.memory_space<vmem>> -> memref<640xi32, #tpu.memory_space<vmem>>
      %dma_wait3A_276 = arith.constant 0 : i32
      %dma_wait3A_277 = arith.constant 0 : i32
      %dma_wait3A_278 = tpu.memref_slice %arg3[%dma_wait3A_276, %dma_wait3A_277] : memref<1000000x32xf32, #tpu.memory_space<hbm>> -> memref<1000000x32xf32, #tpu.memory_space<hbm>>
      %dma_wait3A_279 = tpu.memref_slice %arg7[%dma_wait3A_268] : memref<5x!tpu.dma_semaphore, #tpu.memory_space<semaphore_mem>> -> memref<1x!tpu.dma_semaphore, #tpu.memory_space<semaphore_mem>>
      %dma_wait3A_280 = tpu.memref_squeeze %dma_wait3A_279 : memref<1x!tpu.dma_semaphore, #tpu.memory_space<semaphore_mem>> -> memref<!tpu.dma_semaphore, #tpu.memory_space<semaphore_mem>>
      tpu.wait_indirect_dma semaphore(%dma_wait3A_280 : memref<!tpu.dma_semaphore, #tpu.memory_space<semaphore_mem>>) src(%dma_wait3A_278 : memref<1000000x32xf32, #tpu.memory_space<hbm>>) dst(%dma_wait3A_272 : memref<640x32xf32, #tpu.memory_space<vmem>>)
      %mul3A_281 = arith.constant 640 : i32
      %mul3A_282 = arith.muli %add3A_265, %mul3A_281 : i32
      %add3A_283 = arith.addi %mul3A_2, %mul3A_282 : i32
      %dma_start3A_284 = arith.constant 3 : i32
      %dma_start3A_285 = arith.constant 3 : i32
      %dma_start3A_286 = arith.constant 0 : i32
      %dma_start3A_287 = arith.constant 0 : i32
      %dma_start3A_288 = tpu.memref_slice %arg6[%dma_start3A_284, %dma_start3A_286, %dma_start3A_287] : memref<5x640x32xf32, #tpu.memory_space<vmem>> -> memref<1x640x32xf32, #tpu.memory_space<vmem>>
      %dma_start3A_289 = tpu.memref_squeeze %dma_start3A_288 : memref<1x640x32xf32, #tpu.memory_space<vmem>> -> memref<640x32xf32, #tpu.memory_space<vmem>>
      %dma_start3A_290 = arith.constant 0 : i32
      %dma_start3A_291 = tpu.memref_slice %arg4[%add3A_283, %dma_start3A_290] : memref<3276800x32xf32, #tpu.memory_space<hbm>> -> memref<640x32xf32, #tpu.memory_space<hbm>>
      %dma_start3A_292 = tpu.memref_slice %arg8[%dma_start3A_285] : memref<5x!tpu.dma_semaphore, #tpu.memory_space<semaphore_mem>> -> memref<1x!tpu.dma_semaphore, #tpu.memory_space<semaphore_mem>>
      %dma_start3A_293 = tpu.memref_squeeze %dma_start3A_292 : memref<1x!tpu.dma_semaphore, #tpu.memory_space<semaphore_mem>> -> memref<!tpu.dma_semaphore, #tpu.memory_space<semaphore_mem>>
      %dma_start3A_294 = arith.constant 0 : i32
      %dma_start3A_295 = tpu.memref_slice %arg4[%add3A_283, %dma_start3A_294] : memref<3276800x32xf32, #tpu.memory_space<hbm>> -> memref<640x32xf32, #tpu.memory_space<hbm>>
      %dma_start3A_296 = arith.constant 0 : i32
      %dma_start3A_297 = arith.constant 0 : i32
      %dma_start3A_298 = tpu.memref_slice %arg6[%dma_start3A_284, %dma_start3A_296, %dma_start3A_297] : memref<5x640x32xf32, #tpu.memory_space<vmem>> -> memref<1x640x32xf32, #tpu.memory_space<vmem>>
      %dma_start3A_299 = tpu.memref_squeeze %dma_start3A_298 : memref<1x640x32xf32, #tpu.memory_space<vmem>> -> memref<640x32xf32, #tpu.memory_space<vmem>>
      tpu.enqueue_dma source(%dma_start3A_299 : memref<640x32xf32, #tpu.memory_space<vmem>>) target(%dma_start3A_295 : memref<640x32xf32, #tpu.memory_space<hbm>>) target_semaphore(%dma_start3A_293 : memref<!tpu.dma_semaphore, #tpu.memory_space<semaphore_mem>>)
      %add3A_300 = arith.constant 2 : i32
      %add3A_301 = arith.addi %add3A_265, %add3A_300 : i32
      %lt3A_302 = arith.constant 160 : i32
      %lt3A_303 = arith.cmpi slt, %add3A_301, %lt3A_302 : i32
      %convert_element_type3A_304 = arith.extui %lt3A_303 : i1 to i32
      %cond3A_305 = arith.constant 0 : i32
      %cond3A_306 = arith.cmpi ne, %convert_element_type3A_304, %cond3A_305 : i32
      scf.if %cond3A_306 {
        %ge3A = arith.constant 3 : i32
        %ge3A_352 = arith.cmpi sge, %add3A_265, %ge3A : i32
        %convert_element_type3A_353 = arith.extui %ge3A_352 : i1 to i32
        %cond3A_354 = arith.constant 0 : i32
        %cond3A_355 = arith.cmpi ne, %convert_element_type3A_353, %cond3A_354 : i32
        scf.if %cond3A_355 {
          %sub3A = arith.constant 3 : i32
          %sub3A_374 = arith.subi %add3A_265, %sub3A : i32
          %mul3A_375 = arith.constant 640 : i32
          %mul3A_376 = arith.muli %sub3A_374, %mul3A_375 : i32
          %add3A_377 = arith.addi %mul3A_2, %mul3A_376 : i32
          %dma_wait3A_378 = arith.constant 2 : i32
          %dma_wait3A_379 = arith.constant 2 : i32
          %dma_wait3A_380 = arith.constant 0 : i32
          %dma_wait3A_381 = arith.constant 0 : i32
          %dma_wait3A_382 = tpu.memref_slice %arg6[%dma_wait3A_378, %dma_wait3A_380, %dma_wait3A_381] : memref<5x640x32xf32, #tpu.memory_space<vmem>> -> memref<1x640x32xf32, #tpu.memory_space<vmem>>
          %dma_wait3A_383 = tpu.memref_squeeze %dma_wait3A_382 : memref<1x640x32xf32, #tpu.memory_space<vmem>> -> memref<640x32xf32, #tpu.memory_space<vmem>>
          %dma_wait3A_384 = arith.constant 0 : i32
          %dma_wait3A_385 = tpu.memref_slice %arg4[%add3A_377, %dma_wait3A_384] : memref<3276800x32xf32, #tpu.memory_space<hbm>> -> memref<640x32xf32, #tpu.memory_space<hbm>>
          %dma_wait3A_386 = tpu.memref_slice %arg8[%dma_wait3A_379] : memref<5x!tpu.dma_semaphore, #tpu.memory_space<semaphore_mem>> -> memref<1x!tpu.dma_semaphore, #tpu.memory_space<semaphore_mem>>
          %dma_wait3A_387 = tpu.memref_squeeze %dma_wait3A_386 : memref<1x!tpu.dma_semaphore, #tpu.memory_space<semaphore_mem>> -> memref<!tpu.dma_semaphore, #tpu.memory_space<semaphore_mem>>
          %dma_wait3A_388 = arith.constant 0 : i32
          %dma_wait3A_389 = tpu.memref_slice %arg4[%add3A_377, %dma_wait3A_388] : memref<3276800x32xf32, #tpu.memory_space<hbm>> -> memref<640x32xf32, #tpu.memory_space<hbm>>
          %dma_wait3A_390 = arith.constant 0 : i32
          %dma_wait3A_391 = arith.constant 0 : i32
          %dma_wait3A_392 = tpu.memref_slice %arg6[%dma_wait3A_378, %dma_wait3A_390, %dma_wait3A_391] : memref<5x640x32xf32, #tpu.memory_space<vmem>> -> memref<1x640x32xf32, #tpu.memory_space<vmem>>
          %dma_wait3A_393 = tpu.memref_squeeze %dma_wait3A_392 : memref<1x640x32xf32, #tpu.memory_space<vmem>> -> memref<640x32xf32, #tpu.memory_space<vmem>>
          tpu.wait_dma2 semaphore(%dma_wait3A_387 : memref<!tpu.dma_semaphore, #tpu.memory_space<semaphore_mem>>) src(%dma_wait3A_393 : memref<640x32xf32, #tpu.memory_space<vmem>>) dst(%dma_wait3A_389 : memref<640x32xf32, #tpu.memory_space<hbm>>)
        } else {
        }
        %add3A_356 = arith.constant 2 : i32
        %add3A_357 = arith.addi %add3A_265, %add3A_356 : i32
        %run_scoped3A_358 = arith.constant 0 : i32
        "tpu.region"() ({
          %run_scoped3A_374 = tpu.sem_alloc : memref<!tpu.dma_semaphore, #tpu.memory_space<semaphore_mem>>
          %dma_start3A_375 = arith.constant 0 : i32
          %dma_start3A_376 = tpu.memref_slice %arg5[%run_scoped3A_358, %dma_start3A_375] : memref<5x640xi32, #tpu.memory_space<vmem>> -> memref<1x640xi32, #tpu.memory_space<vmem>>
          %dma_start3A_377 = tpu.memref_squeeze %dma_start3A_376 : memref<1x640xi32, #tpu.memory_space<vmem>> -> memref<640xi32, #tpu.memory_space<vmem>>
          %dma_start3A_378 = arith.constant 0 : i32
          %dma_start3A_379 = tpu.memref_slice %arg2[%add3A, %add3A_357, %dma_start3A_378] : memref<32x160x640xi32, #tpu.memory_space<hbm>> -> memref<1x1x640xi32, #tpu.memory_space<hbm>>
          %dma_start3A_380 = tpu.memref_squeeze %dma_start3A_379 : memref<1x1x640xi32, #tpu.memory_space<hbm>> -> memref<640xi32, #tpu.memory_space<hbm>>
          %dma_start3A_381 = arith.constant 0 : i32
          %dma_start3A_382 = tpu.memref_slice %arg5[%run_scoped3A_358, %dma_start3A_381] : memref<5x640xi32, #tpu.memory_space<vmem>> -> memref<1x640xi32, #tpu.memory_space<vmem>>
          %dma_start3A_383 = tpu.memref_squeeze %dma_start3A_382 : memref<1x640xi32, #tpu.memory_space<vmem>> -> memref<640xi32, #tpu.memory_space<vmem>>
          %dma_start3A_384 = arith.constant 0 : i32
          %dma_start3A_385 = tpu.memref_slice %arg2[%add3A, %add3A_357, %dma_start3A_384] : memref<32x160x640xi32, #tpu.memory_space<hbm>> -> memref<1x1x640xi32, #tpu.memory_space<hbm>>
          %dma_start3A_386 = tpu.memref_squeeze %dma_start3A_385 : memref<1x1x640xi32, #tpu.memory_space<hbm>> -> memref<640xi32, #tpu.memory_space<hbm>>
          tpu.enqueue_dma source(%dma_start3A_386 : memref<640xi32, #tpu.memory_space<hbm>>) target(%dma_start3A_383 : memref<640xi32, #tpu.memory_space<vmem>>) target_semaphore(%run_scoped3A_374 : memref<!tpu.dma_semaphore, #tpu.memory_space<semaphore_mem>>)
          %dma_wait3A_387 = arith.constant 0 : i32
          %dma_wait3A_388 = tpu.memref_slice %arg5[%run_scoped3A_358, %dma_wait3A_387] : memref<5x640xi32, #tpu.memory_space<vmem>> -> memref<1x640xi32, #tpu.memory_space<vmem>>
          %dma_wait3A_389 = tpu.memref_squeeze %dma_wait3A_388 : memref<1x640xi32, #tpu.memory_space<vmem>> -> memref<640xi32, #tpu.memory_space<vmem>>
          %dma_wait3A_390 = arith.constant 0 : i32
          %dma_wait3A_391 = tpu.memref_slice %arg2[%add3A, %add3A_357, %dma_wait3A_390] : memref<32x160x640xi32, #tpu.memory_space<hbm>> -> memref<1x1x640xi32, #tpu.memory_space<hbm>>
          %dma_wait3A_392 = tpu.memref_squeeze %dma_wait3A_391 : memref<1x1x640xi32, #tpu.memory_space<hbm>> -> memref<640xi32, #tpu.memory_space<hbm>>
          %dma_wait3A_393 = arith.constant 0 : i32
          %dma_wait3A_394 = tpu.memref_slice %arg5[%run_scoped3A_358, %dma_wait3A_393] : memref<5x640xi32, #tpu.memory_space<vmem>> -> memref<1x640xi32, #tpu.memory_space<vmem>>
          %dma_wait3A_395 = tpu.memref_squeeze %dma_wait3A_394 : memref<1x640xi32, #tpu.memory_space<vmem>> -> memref<640xi32, #tpu.memory_space<vmem>>
          %dma_wait3A_396 = arith.constant 0 : i32
          %dma_wait3A_397 = tpu.memref_slice %arg2[%add3A, %add3A_357, %dma_wait3A_396] : memref<32x160x640xi32, #tpu.memory_space<hbm>> -> memref<1x1x640xi32, #tpu.memory_space<hbm>>
          %dma_wait3A_398 = tpu.memref_squeeze %dma_wait3A_397 : memref<1x1x640xi32, #tpu.memory_space<hbm>> -> memref<640xi32, #tpu.memory_space<hbm>>
          tpu.wait_dma2 semaphore(%run_scoped3A_374 : memref<!tpu.dma_semaphore, #tpu.memory_space<semaphore_mem>>) src(%dma_wait3A_398 : memref<640xi32, #tpu.memory_space<hbm>>) dst(%dma_wait3A_395 : memref<640xi32, #tpu.memory_space<vmem>>)
          tpu.yield
        }) : () -> ()
        %dma_start3A_359 = arith.constant 0 : i32
        %dma_start3A_360 = arith.constant 0 : i32
        %dma_start3A_361 = arith.constant 0 : i32
        %dma_start3A_362 = arith.constant 0 : i32
        %dma_start3A_363 = arith.constant 0 : i32
        %dma_start3A_364 = tpu.memref_slice %arg6[%dma_start3A_360, %dma_start3A_362, %dma_start3A_363] : memref<5x640x32xf32, #tpu.memory_space<vmem>> -> memref<1x640x32xf32, #tpu.memory_space<vmem>>
        %dma_start3A_365 = tpu.memref_squeeze %dma_start3A_364 : memref<1x640x32xf32, #tpu.memory_space<vmem>> -> memref<640x32xf32, #tpu.memory_space<vmem>>
        %dma_start3A_366 = arith.constant 0 : i32
        %dma_start3A_367 = tpu.memref_slice %arg5[%dma_start3A_359, %dma_start3A_366] : memref<5x640xi32, #tpu.memory_space<vmem>> -> memref<1x640xi32, #tpu.memory_space<vmem>>
        %dma_start3A_368 = tpu.memref_squeeze %dma_start3A_367 : memref<1x640xi32, #tpu.memory_space<vmem>> -> memref<640xi32, #tpu.memory_space<vmem>>
        %dma_start3A_369 = arith.constant 0 : i32
        %dma_start3A_370 = arith.constant 0 : i32
        %dma_start3A_371 = tpu.memref_slice %arg3[%dma_start3A_369, %dma_start3A_370] : memref<1000000x32xf32, #tpu.memory_space<hbm>> -> memref<1000000x32xf32, #tpu.memory_space<hbm>>
        %dma_start3A_372 = tpu.memref_slice %arg7[%dma_start3A_361] : memref<5x!tpu.dma_semaphore, #tpu.memory_space<semaphore_mem>> -> memref<1x!tpu.dma_semaphore, #tpu.memory_space<semaphore_mem>>
        %dma_start3A_373 = tpu.memref_squeeze %dma_start3A_372 : memref<1x!tpu.dma_semaphore, #tpu.memory_space<semaphore_mem>> -> memref<!tpu.dma_semaphore, #tpu.memory_space<semaphore_mem>>
        tpu.enqueue_indirect_dma source(%dma_start3A_371 : memref<1000000x32xf32, #tpu.memory_space<hbm>>) target(%dma_start3A_365 : memref<640x32xf32, #tpu.memory_space<vmem>>) offsets(%dma_start3A_368 : memref<640xi32, #tpu.memory_space<vmem>>) semaphore(%dma_start3A_373 : memref<!tpu.dma_semaphore, #tpu.memory_space<semaphore_mem>>)
      } else {
      }
      %mul3A_307 = arith.constant 5 : i32
      %mul3A_308 = arith.muli %mul3A_307, %scan3A_129 : i32
      %add3A_309 = arith.constant 4 : i32
      %add3A_310 = arith.addi %mul3A_308, %add3A_309 : i32
      %dma_wait3A_311 = arith.constant 4 : i32
      %dma_wait3A_312 = arith.constant 4 : i32
      %dma_wait3A_313 = arith.constant 4 : i32
      %dma_wait3A_314 = arith.constant 0 : i32
      %dma_wait3A_315 = arith.constant 0 : i32
      %dma_wait3A_316 = tpu.memref_slice %arg6[%dma_wait3A_312, %dma_wait3A_314, %dma_wait3A_315] : memref<5x640x32xf32, #tpu.memory_space<vmem>> -> memref<1x640x32xf32, #tpu.memory_space<vmem>>
      %dma_wait3A_317 = tpu.memref_squeeze %dma_wait3A_316 : memref<1x640x32xf32, #tpu.memory_space<vmem>> -> memref<640x32xf32, #tpu.memory_space<vmem>>
      %dma_wait3A_318 = arith.constant 0 : i32
      %dma_wait3A_319 = tpu.memref_slice %arg5[%dma_wait3A_311, %dma_wait3A_318] : memref<5x640xi32, #tpu.memory_space<vmem>> -> memref<1x640xi32, #tpu.memory_space<vmem>>
      %dma_wait3A_320 = tpu.memref_squeeze %dma_wait3A_319 : memref<1x640xi32, #tpu.memory_space<vmem>> -> memref<640xi32, #tpu.memory_space<vmem>>
      %dma_wait3A_321 = arith.constant 0 : i32
      %dma_wait3A_322 = arith.constant 0 : i32
      %dma_wait3A_323 = tpu.memref_slice %arg3[%dma_wait3A_321, %dma_wait3A_322] : memref<1000000x32xf32, #tpu.memory_space<hbm>> -> memref<1000000x32xf32, #tpu.memory_space<hbm>>
      %dma_wait3A_324 = tpu.memref_slice %arg7[%dma_wait3A_313] : memref<5x!tpu.dma_semaphore, #tpu.memory_space<semaphore_mem>> -> memref<1x!tpu.dma_semaphore, #tpu.memory_space<semaphore_mem>>
      %dma_wait3A_325 = tpu.memref_squeeze %dma_wait3A_324 : memref<1x!tpu.dma_semaphore, #tpu.memory_space<semaphore_mem>> -> memref<!tpu.dma_semaphore, #tpu.memory_space<semaphore_mem>>
      tpu.wait_indirect_dma semaphore(%dma_wait3A_325 : memref<!tpu.dma_semaphore, #tpu.memory_space<semaphore_mem>>) src(%dma_wait3A_323 : memref<1000000x32xf32, #tpu.memory_space<hbm>>) dst(%dma_wait3A_317 : memref<640x32xf32, #tpu.memory_space<vmem>>)
      %mul3A_326 = arith.constant 640 : i32
      %mul3A_327 = arith.muli %add3A_310, %mul3A_326 : i32
      %add3A_328 = arith.addi %mul3A_2, %mul3A_327 : i32
      %dma_start3A_329 = arith.constant 4 : i32
      %dma_start3A_330 = arith.constant 4 : i32
      %dma_start3A_331 = arith.constant 0 : i32
      %dma_start3A_332 = arith.constant 0 : i32
      %dma_start3A_333 = tpu.memref_slice %arg6[%dma_start3A_329, %dma_start3A_331, %dma_start3A_332] : memref<5x640x32xf32, #tpu.memory_space<vmem>> -> memref<1x640x32xf32, #tpu.memory_space<vmem>>
      %dma_start3A_334 = tpu.memref_squeeze %dma_start3A_333 : memref<1x640x32xf32, #tpu.memory_space<vmem>> -> memref<640x32xf32, #tpu.memory_space<vmem>>
      %dma_start3A_335 = arith.constant 0 : i32
      %dma_start3A_336 = tpu.memref_slice %arg4[%add3A_328, %dma_start3A_335] : memref<3276800x32xf32, #tpu.memory_space<hbm>> -> memref<640x32xf32, #tpu.memory_space<hbm>>
      %dma_start3A_337 = tpu.memref_slice %arg8[%dma_start3A_330] : memref<5x!tpu.dma_semaphore, #tpu.memory_space<semaphore_mem>> -> memref<1x!tpu.dma_semaphore, #tpu.memory_space<semaphore_mem>>
      %dma_start3A_338 = tpu.memref_squeeze %dma_start3A_337 : memref<1x!tpu.dma_semaphore, #tpu.memory_space<semaphore_mem>> -> memref<!tpu.dma_semaphore, #tpu.memory_space<semaphore_mem>>
      %dma_start3A_339 = arith.constant 0 : i32
      %dma_start3A_340 = tpu.memref_slice %arg4[%add3A_328, %dma_start3A_339] : memref<3276800x32xf32, #tpu.memory_space<hbm>> -> memref<640x32xf32, #tpu.memory_space<hbm>>
      %dma_start3A_341 = arith.constant 0 : i32
      %dma_start3A_342 = arith.constant 0 : i32
      %dma_start3A_343 = tpu.memref_slice %arg6[%dma_start3A_329, %dma_start3A_341, %dma_start3A_342] : memref<5x640x32xf32, #tpu.memory_space<vmem>> -> memref<1x640x32xf32, #tpu.memory_space<vmem>>
      %dma_start3A_344 = tpu.memref_squeeze %dma_start3A_343 : memref<1x640x32xf32, #tpu.memory_space<vmem>> -> memref<640x32xf32, #tpu.memory_space<vmem>>
      tpu.enqueue_dma source(%dma_start3A_344 : memref<640x32xf32, #tpu.memory_space<vmem>>) target(%dma_start3A_340 : memref<640x32xf32, #tpu.memory_space<hbm>>) target_semaphore(%dma_start3A_338 : memref<!tpu.dma_semaphore, #tpu.memory_space<semaphore_mem>>)
      %add3A_345 = arith.constant 2 : i32
      %add3A_346 = arith.addi %add3A_310, %add3A_345 : i32
      %lt3A_347 = arith.constant 160 : i32
      %lt3A_348 = arith.cmpi slt, %add3A_346, %lt3A_347 : i32
      %convert_element_type3A_349 = arith.extui %lt3A_348 : i1 to i32
      %cond3A_350 = arith.constant 0 : i32
      %cond3A_351 = arith.cmpi ne, %convert_element_type3A_349, %cond3A_350 : i32
      scf.if %cond3A_351 {
        %ge3A = arith.constant 3 : i32
        %ge3A_352 = arith.cmpi sge, %add3A_310, %ge3A : i32
        %convert_element_type3A_353 = arith.extui %ge3A_352 : i1 to i32
        %cond3A_354 = arith.constant 0 : i32
        %cond3A_355 = arith.cmpi ne, %convert_element_type3A_353, %cond3A_354 : i32
        scf.if %cond3A_355 {
          %sub3A = arith.constant 3 : i32
          %sub3A_374 = arith.subi %add3A_310, %sub3A : i32
          %mul3A_375 = arith.constant 640 : i32
          %mul3A_376 = arith.muli %sub3A_374, %mul3A_375 : i32
          %add3A_377 = arith.addi %mul3A_2, %mul3A_376 : i32
          %dma_wait3A_378 = arith.constant 3 : i32
          %dma_wait3A_379 = arith.constant 3 : i32
          %dma_wait3A_380 = arith.constant 0 : i32
          %dma_wait3A_381 = arith.constant 0 : i32
          %dma_wait3A_382 = tpu.memref_slice %arg6[%dma_wait3A_378, %dma_wait3A_380, %dma_wait3A_381] : memref<5x640x32xf32, #tpu.memory_space<vmem>> -> memref<1x640x32xf32, #tpu.memory_space<vmem>>
          %dma_wait3A_383 = tpu.memref_squeeze %dma_wait3A_382 : memref<1x640x32xf32, #tpu.memory_space<vmem>> -> memref<640x32xf32, #tpu.memory_space<vmem>>
          %dma_wait3A_384 = arith.constant 0 : i32
          %dma_wait3A_385 = tpu.memref_slice %arg4[%add3A_377, %dma_wait3A_384] : memref<3276800x32xf32, #tpu.memory_space<hbm>> -> memref<640x32xf32, #tpu.memory_space<hbm>>
          %dma_wait3A_386 = tpu.memref_slice %arg8[%dma_wait3A_379] : memref<5x!tpu.dma_semaphore, #tpu.memory_space<semaphore_mem>> -> memref<1x!tpu.dma_semaphore, #tpu.memory_space<semaphore_mem>>
          %dma_wait3A_387 = tpu.memref_squeeze %dma_wait3A_386 : memref<1x!tpu.dma_semaphore, #tpu.memory_space<semaphore_mem>> -> memref<!tpu.dma_semaphore, #tpu.memory_space<semaphore_mem>>
          %dma_wait3A_388 = arith.constant 0 : i32
          %dma_wait3A_389 = tpu.memref_slice %arg4[%add3A_377, %dma_wait3A_388] : memref<3276800x32xf32, #tpu.memory_space<hbm>> -> memref<640x32xf32, #tpu.memory_space<hbm>>
          %dma_wait3A_390 = arith.constant 0 : i32
          %dma_wait3A_391 = arith.constant 0 : i32
          %dma_wait3A_392 = tpu.memref_slice %arg6[%dma_wait3A_378, %dma_wait3A_390, %dma_wait3A_391] : memref<5x640x32xf32, #tpu.memory_space<vmem>> -> memref<1x640x32xf32, #tpu.memory_space<vmem>>
          %dma_wait3A_393 = tpu.memref_squeeze %dma_wait3A_392 : memref<1x640x32xf32, #tpu.memory_space<vmem>> -> memref<640x32xf32, #tpu.memory_space<vmem>>
          tpu.wait_dma2 semaphore(%dma_wait3A_387 : memref<!tpu.dma_semaphore, #tpu.memory_space<semaphore_mem>>) src(%dma_wait3A_393 : memref<640x32xf32, #tpu.memory_space<vmem>>) dst(%dma_wait3A_389 : memref<640x32xf32, #tpu.memory_space<hbm>>)
        } else {
        }
        %add3A_356 = arith.constant 2 : i32
        %add3A_357 = arith.addi %add3A_310, %add3A_356 : i32
        %run_scoped3A_358 = arith.constant 1 : i32
        "tpu.region"() ({
          %run_scoped3A_374 = tpu.sem_alloc : memref<!tpu.dma_semaphore, #tpu.memory_space<semaphore_mem>>
          %dma_start3A_375 = arith.constant 0 : i32
          %dma_start3A_376 = tpu.memref_slice %arg5[%run_scoped3A_358, %dma_start3A_375] : memref<5x640xi32, #tpu.memory_space<vmem>> -> memref<1x640xi32, #tpu.memory_space<vmem>>
          %dma_start3A_377 = tpu.memref_squeeze %dma_start3A_376 : memref<1x640xi32, #tpu.memory_space<vmem>> -> memref<640xi32, #tpu.memory_space<vmem>>
          %dma_start3A_378 = arith.constant 0 : i32
          %dma_start3A_379 = tpu.memref_slice %arg2[%add3A, %add3A_357, %dma_start3A_378] : memref<32x160x640xi32, #tpu.memory_space<hbm>> -> memref<1x1x640xi32, #tpu.memory_space<hbm>>
          %dma_start3A_380 = tpu.memref_squeeze %dma_start3A_379 : memref<1x1x640xi32, #tpu.memory_space<hbm>> -> memref<640xi32, #tpu.memory_space<hbm>>
          %dma_start3A_381 = arith.constant 0 : i32
          %dma_start3A_382 = tpu.memref_slice %arg5[%run_scoped3A_358, %dma_start3A_381] : memref<5x640xi32, #tpu.memory_space<vmem>> -> memref<1x640xi32, #tpu.memory_space<vmem>>
          %dma_start3A_383 = tpu.memref_squeeze %dma_start3A_382 : memref<1x640xi32, #tpu.memory_space<vmem>> -> memref<640xi32, #tpu.memory_space<vmem>>
          %dma_start3A_384 = arith.constant 0 : i32
          %dma_start3A_385 = tpu.memref_slice %arg2[%add3A, %add3A_357, %dma_start3A_384] : memref<32x160x640xi32, #tpu.memory_space<hbm>> -> memref<1x1x640xi32, #tpu.memory_space<hbm>>
          %dma_start3A_386 = tpu.memref_squeeze %dma_start3A_385 : memref<1x1x640xi32, #tpu.memory_space<hbm>> -> memref<640xi32, #tpu.memory_space<hbm>>
          tpu.enqueue_dma source(%dma_start3A_386 : memref<640xi32, #tpu.memory_space<hbm>>) target(%dma_start3A_383 : memref<640xi32, #tpu.memory_space<vmem>>) target_semaphore(%run_scoped3A_374 : memref<!tpu.dma_semaphore, #tpu.memory_space<semaphore_mem>>)
          %dma_wait3A_387 = arith.constant 0 : i32
          %dma_wait3A_388 = tpu.memref_slice %arg5[%run_scoped3A_358, %dma_wait3A_387] : memref<5x640xi32, #tpu.memory_space<vmem>> -> memref<1x640xi32, #tpu.memory_space<vmem>>
          %dma_wait3A_389 = tpu.memref_squeeze %dma_wait3A_388 : memref<1x640xi32, #tpu.memory_space<vmem>> -> memref<640xi32, #tpu.memory_space<vmem>>
          %dma_wait3A_390 = arith.constant 0 : i32
          %dma_wait3A_391 = tpu.memref_slice %arg2[%add3A, %add3A_357, %dma_wait3A_390] : memref<32x160x640xi32, #tpu.memory_space<hbm>> -> memref<1x1x640xi32, #tpu.memory_space<hbm>>
          %dma_wait3A_392 = tpu.memref_squeeze %dma_wait3A_391 : memref<1x1x640xi32, #tpu.memory_space<hbm>> -> memref<640xi32, #tpu.memory_space<hbm>>
          %dma_wait3A_393 = arith.constant 0 : i32
          %dma_wait3A_394 = tpu.memref_slice %arg5[%run_scoped3A_358, %dma_wait3A_393] : memref<5x640xi32, #tpu.memory_space<vmem>> -> memref<1x640xi32, #tpu.memory_space<vmem>>
          %dma_wait3A_395 = tpu.memref_squeeze %dma_wait3A_394 : memref<1x640xi32, #tpu.memory_space<vmem>> -> memref<640xi32, #tpu.memory_space<vmem>>
          %dma_wait3A_396 = arith.constant 0 : i32
          %dma_wait3A_397 = tpu.memref_slice %arg2[%add3A, %add3A_357, %dma_wait3A_396] : memref<32x160x640xi32, #tpu.memory_space<hbm>> -> memref<1x1x640xi32, #tpu.memory_space<hbm>>
          %dma_wait3A_398 = tpu.memref_squeeze %dma_wait3A_397 : memref<1x1x640xi32, #tpu.memory_space<hbm>> -> memref<640xi32, #tpu.memory_space<hbm>>
          tpu.wait_dma2 semaphore(%run_scoped3A_374 : memref<!tpu.dma_semaphore, #tpu.memory_space<semaphore_mem>>) src(%dma_wait3A_398 : memref<640xi32, #tpu.memory_space<hbm>>) dst(%dma_wait3A_395 : memref<640xi32, #tpu.memory_space<vmem>>)
          tpu.yield
        }) : () -> ()
        %dma_start3A_359 = arith.constant 1 : i32
        %dma_start3A_360 = arith.constant 1 : i32
        %dma_start3A_361 = arith.constant 1 : i32
        %dma_start3A_362 = arith.constant 0 : i32
        %dma_start3A_363 = arith.constant 0 : i32
        %dma_start3A_364 = tpu.memref_slice %arg6[%dma_start3A_360, %dma_start3A_362, %dma_start3A_363] : memref<5x640x32xf32, #tpu.memory_space<vmem>> -> memref<1x640x32xf32, #tpu.memory_space<vmem>>
        %dma_start3A_365 = tpu.memref_squeeze %dma_start3A_364 : memref<1x640x32xf32, #tpu.memory_space<vmem>> -> memref<640x32xf32, #tpu.memory_space<vmem>>
        %dma_start3A_366 = arith.constant 0 : i32
        %dma_start3A_367 = tpu.memref_slice %arg5[%dma_start3A_359, %dma_start3A_366] : memref<5x640xi32, #tpu.memory_space<vmem>> -> memref<1x640xi32, #tpu.memory_space<vmem>>
        %dma_start3A_368 = tpu.memref_squeeze %dma_start3A_367 : memref<1x640xi32, #tpu.memory_space<vmem>> -> memref<640xi32, #tpu.memory_space<vmem>>
        %dma_start3A_369 = arith.constant 0 : i32
        %dma_start3A_370 = arith.constant 0 : i32
        %dma_start3A_371 = tpu.memref_slice %arg3[%dma_start3A_369, %dma_start3A_370] : memref<1000000x32xf32, #tpu.memory_space<hbm>> -> memref<1000000x32xf32, #tpu.memory_space<hbm>>
        %dma_start3A_372 = tpu.memref_slice %arg7[%dma_start3A_361] : memref<5x!tpu.dma_semaphore, #tpu.memory_space<semaphore_mem>> -> memref<1x!tpu.dma_semaphore, #tpu.memory_space<semaphore_mem>>
        %dma_start3A_373 = tpu.memref_squeeze %dma_start3A_372 : memref<1x!tpu.dma_semaphore, #tpu.memory_space<semaphore_mem>> -> memref<!tpu.dma_semaphore, #tpu.memory_space<semaphore_mem>>
        tpu.enqueue_indirect_dma source(%dma_start3A_371 : memref<1000000x32xf32, #tpu.memory_space<hbm>>) target(%dma_start3A_365 : memref<640x32xf32, #tpu.memory_space<vmem>>) offsets(%dma_start3A_368 : memref<640xi32, #tpu.memory_space<vmem>>) semaphore(%dma_start3A_373 : memref<!tpu.dma_semaphore, #tpu.memory_space<semaphore_mem>>)
      } else {
      }
    }
    %scan3A_39 = arith.constant 32 : i32
    %add3A_40 = arith.constant 99200 : i32
    %add3A_41 = arith.addi %mul3A_2, %add3A_40 : i32
    %dma_wait3A = arith.constant 0 : i32
    %dma_wait3A_42 = arith.constant 0 : i32
    %dma_wait3A_43 = arith.constant 0 : i32
    %dma_wait3A_44 = arith.constant 0 : i32
    %dma_wait3A_45 = tpu.memref_slice %arg6[%dma_wait3A, %dma_wait3A_43, %dma_wait3A_44] : memref<5x640x32xf32, #tpu.memory_space<vmem>> -> memref<1x640x32xf32, #tpu.memory_space<vmem>>
    %dma_wait3A_46 = tpu.memref_squeeze %dma_wait3A_45 : memref<1x640x32xf32, #tpu.memory_space<vmem>> -> memref<640x32xf32, #tpu.memory_space<vmem>>
    %dma_wait3A_47 = arith.constant 0 : i32
    %dma_wait3A_48 = tpu.memref_slice %arg4[%add3A_41, %dma_wait3A_47] : memref<3276800x32xf32, #tpu.memory_space<hbm>> -> memref<640x32xf32, #tpu.memory_space<hbm>>
    %dma_wait3A_49 = tpu.memref_slice %arg8[%dma_wait3A_42] : memref<5x!tpu.dma_semaphore, #tpu.memory_space<semaphore_mem>> -> memref<1x!tpu.dma_semaphore, #tpu.memory_space<semaphore_mem>>
    %dma_wait3A_50 = tpu.memref_squeeze %dma_wait3A_49 : memref<1x!tpu.dma_semaphore, #tpu.memory_space<semaphore_mem>> -> memref<!tpu.dma_semaphore, #tpu.memory_space<semaphore_mem>>
    %dma_wait3A_51 = arith.constant 0 : i32
    %dma_wait3A_52 = tpu.memref_slice %arg4[%add3A_41, %dma_wait3A_51] : memref<3276800x32xf32, #tpu.memory_space<hbm>> -> memref<640x32xf32, #tpu.memory_space<hbm>>
    %dma_wait3A_53 = arith.constant 0 : i32
    %dma_wait3A_54 = arith.constant 0 : i32
    %dma_wait3A_55 = tpu.memref_slice %arg6[%dma_wait3A, %dma_wait3A_53, %dma_wait3A_54] : memref<5x640x32xf32, #tpu.memory_space<vmem>> -> memref<1x640x32xf32, #tpu.memory_space<vmem>>
    %dma_wait3A_56 = tpu.memref_squeeze %dma_wait3A_55 : memref<1x640x32xf32, #tpu.memory_space<vmem>> -> memref<640x32xf32, #tpu.memory_space<vmem>>
    tpu.wait_dma2 semaphore(%dma_wait3A_50 : memref<!tpu.dma_semaphore, #tpu.memory_space<semaphore_mem>>) src(%dma_wait3A_56 : memref<640x32xf32, #tpu.memory_space<vmem>>) dst(%dma_wait3A_52 : memref<640x32xf32, #tpu.memory_space<hbm>>)
    %add3A_57 = arith.constant 99840 : i32
    %add3A_58 = arith.addi %mul3A_2, %add3A_57 : i32
    %dma_wait3A_59 = arith.constant 1 : i32
    %dma_wait3A_60 = arith.constant 1 : i32
    %dma_wait3A_61 = arith.constant 0 : i32
    %dma_wait3A_62 = arith.constant 0 : i32
    %dma_wait3A_63 = tpu.memref_slice %arg6[%dma_wait3A_59, %dma_wait3A_61, %dma_wait3A_62] : memref<5x640x32xf32, #tpu.memory_space<vmem>> -> memref<1x640x32xf32, #tpu.memory_space<vmem>>
    %dma_wait3A_64 = tpu.memref_squeeze %dma_wait3A_63 : memref<1x640x32xf32, #tpu.memory_space<vmem>> -> memref<640x32xf32, #tpu.memory_space<vmem>>
    %dma_wait3A_65 = arith.constant 0 : i32
    %dma_wait3A_66 = tpu.memref_slice %arg4[%add3A_58, %dma_wait3A_65] : memref<3276800x32xf32, #tpu.memory_space<hbm>> -> memref<640x32xf32, #tpu.memory_space<hbm>>
    %dma_wait3A_67 = tpu.memref_slice %arg8[%dma_wait3A_60] : memref<5x!tpu.dma_semaphore, #tpu.memory_space<semaphore_mem>> -> memref<1x!tpu.dma_semaphore, #tpu.memory_space<semaphore_mem>>
    %dma_wait3A_68 = tpu.memref_squeeze %dma_wait3A_67 : memref<1x!tpu.dma_semaphore, #tpu.memory_space<semaphore_mem>> -> memref<!tpu.dma_semaphore, #tpu.memory_space<semaphore_mem>>
    %dma_wait3A_69 = arith.constant 0 : i32
    %dma_wait3A_70 = tpu.memref_slice %arg4[%add3A_58, %dma_wait3A_69] : memref<3276800x32xf32, #tpu.memory_space<hbm>> -> memref<640x32xf32, #tpu.memory_space<hbm>>
    %dma_wait3A_71 = arith.constant 0 : i32
    %dma_wait3A_72 = arith.constant 0 : i32
    %dma_wait3A_73 = tpu.memref_slice %arg6[%dma_wait3A_59, %dma_wait3A_71, %dma_wait3A_72] : memref<5x640x32xf32, #tpu.memory_space<vmem>> -> memref<1x640x32xf32, #tpu.memory_space<vmem>>
    %dma_wait3A_74 = tpu.memref_squeeze %dma_wait3A_73 : memref<1x640x32xf32, #tpu.memory_space<vmem>> -> memref<640x32xf32, #tpu.memory_space<vmem>>
    tpu.wait_dma2 semaphore(%dma_wait3A_68 : memref<!tpu.dma_semaphore, #tpu.memory_space<semaphore_mem>>) src(%dma_wait3A_74 : memref<640x32xf32, #tpu.memory_space<vmem>>) dst(%dma_wait3A_70 : memref<640x32xf32, #tpu.memory_space<hbm>>)
    %add3A_75 = arith.constant 100480 : i32
    %add3A_76 = arith.addi %mul3A_2, %add3A_75 : i32
    %dma_wait3A_77 = arith.constant 2 : i32
    %dma_wait3A_78 = arith.constant 2 : i32
    %dma_wait3A_79 = arith.constant 0 : i32
    %dma_wait3A_80 = arith.constant 0 : i32
    %dma_wait3A_81 = tpu.memref_slice %arg6[%dma_wait3A_77, %dma_wait3A_79, %dma_wait3A_80] : memref<5x640x32xf32, #tpu.memory_space<vmem>> -> memref<1x640x32xf32, #tpu.memory_space<vmem>>
    %dma_wait3A_82 = tpu.memref_squeeze %dma_wait3A_81 : memref<1x640x32xf32, #tpu.memory_space<vmem>> -> memref<640x32xf32, #tpu.memory_space<vmem>>
    %dma_wait3A_83 = arith.constant 0 : i32
    %dma_wait3A_84 = tpu.memref_slice %arg4[%add3A_76, %dma_wait3A_83] : memref<3276800x32xf32, #tpu.memory_space<hbm>> -> memref<640x32xf32, #tpu.memory_space<hbm>>
    %dma_wait3A_85 = tpu.memref_slice %arg8[%dma_wait3A_78] : memref<5x!tpu.dma_semaphore, #tpu.memory_space<semaphore_mem>> -> memref<1x!tpu.dma_semaphore, #tpu.memory_space<semaphore_mem>>
    %dma_wait3A_86 = tpu.memref_squeeze %dma_wait3A_85 : memref<1x!tpu.dma_semaphore, #tpu.memory_space<semaphore_mem>> -> memref<!tpu.dma_semaphore, #tpu.memory_space<semaphore_mem>>
    %dma_wait3A_87 = arith.constant 0 : i32
    %dma_wait3A_88 = tpu.memref_slice %arg4[%add3A_76, %dma_wait3A_87] : memref<3276800x32xf32, #tpu.memory_space<hbm>> -> memref<640x32xf32, #tpu.memory_space<hbm>>
    %dma_wait3A_89 = arith.constant 0 : i32
    %dma_wait3A_90 = arith.constant 0 : i32
    %dma_wait3A_91 = tpu.memref_slice %arg6[%dma_wait3A_77, %dma_wait3A_89, %dma_wait3A_90] : memref<5x640x32xf32, #tpu.memory_space<vmem>> -> memref<1x640x32xf32, #tpu.memory_space<vmem>>
    %dma_wait3A_92 = tpu.memref_squeeze %dma_wait3A_91 : memref<1x640x32xf32, #tpu.memory_space<vmem>> -> memref<640x32xf32, #tpu.memory_space<vmem>>
    tpu.wait_dma2 semaphore(%dma_wait3A_86 : memref<!tpu.dma_semaphore, #tpu.memory_space<semaphore_mem>>) src(%dma_wait3A_92 : memref<640x32xf32, #tpu.memory_space<vmem>>) dst(%dma_wait3A_88 : memref<640x32xf32, #tpu.memory_space<hbm>>)
    %add3A_93 = arith.constant 101120 : i32
    %add3A_94 = arith.addi %mul3A_2, %add3A_93 : i32
    %dma_wait3A_95 = arith.constant 3 : i32
    %dma_wait3A_96 = arith.constant 3 : i32
    %dma_wait3A_97 = arith.constant 0 : i32
    %dma_wait3A_98 = arith.constant 0 : i32
    %dma_wait3A_99 = tpu.memref_slice %arg6[%dma_wait3A_95, %dma_wait3A_97, %dma_wait3A_98] : memref<5x640x32xf32, #tpu.memory_space<vmem>> -> memref<1x640x32xf32, #tpu.memory_space<vmem>>
    %dma_wait3A_100 = tpu.memref_squeeze %dma_wait3A_99 : memref<1x640x32xf32, #tpu.memory_space<vmem>> -> memref<640x32xf32, #tpu.memory_space<vmem>>
    %dma_wait3A_101 = arith.constant 0 : i32
    %dma_wait3A_102 = tpu.memref_slice %arg4[%add3A_94, %dma_wait3A_101] : memref<3276800x32xf32, #tpu.memory_space<hbm>> -> memref<640x32xf32, #tpu.memory_space<hbm>>
    %dma_wait3A_103 = tpu.memref_slice %arg8[%dma_wait3A_96] : memref<5x!tpu.dma_semaphore, #tpu.memory_space<semaphore_mem>> -> memref<1x!tpu.dma_semaphore, #tpu.memory_space<semaphore_mem>>
    %dma_wait3A_104 = tpu.memref_squeeze %dma_wait3A_103 : memref<1x!tpu.dma_semaphore, #tpu.memory_space<semaphore_mem>> -> memref<!tpu.dma_semaphore, #tpu.memory_space<semaphore_mem>>
    %dma_wait3A_105 = arith.constant 0 : i32
    %dma_wait3A_106 = tpu.memref_slice %arg4[%add3A_94, %dma_wait3A_105] : memref<3276800x32xf32, #tpu.memory_space<hbm>> -> memref<640x32xf32, #tpu.memory_space<hbm>>
    %dma_wait3A_107 = arith.constant 0 : i32
    %dma_wait3A_108 = arith.constant 0 : i32
    %dma_wait3A_109 = tpu.memref_slice %arg6[%dma_wait3A_95, %dma_wait3A_107, %dma_wait3A_108] : memref<5x640x32xf32, #tpu.memory_space<vmem>> -> memref<1x640x32xf32, #tpu.memory_space<vmem>>
    %dma_wait3A_110 = tpu.memref_squeeze %dma_wait3A_109 : memref<1x640x32xf32, #tpu.memory_space<vmem>> -> memref<640x32xf32, #tpu.memory_space<vmem>>
    tpu.wait_dma2 semaphore(%dma_wait3A_104 : memref<!tpu.dma_semaphore, #tpu.memory_space<semaphore_mem>>) src(%dma_wait3A_110 : memref<640x32xf32, #tpu.memory_space<vmem>>) dst(%dma_wait3A_106 : memref<640x32xf32, #tpu.memory_space<hbm>>)
    %add3A_111 = arith.constant 101760 : i32
    %add3A_112 = arith.addi %mul3A_2, %add3A_111 : i32
    %dma_wait3A_113 = arith.constant 4 : i32
    %dma_wait3A_114 = arith.constant 4 : i32
    %dma_wait3A_115 = arith.constant 0 : i32
    %dma_wait3A_116 = arith.constant 0 : i32
    %dma_wait3A_117 = tpu.memref_slice %arg6[%dma_wait3A_113, %dma_wait3A_115, %dma_wait3A_116] : memref<5x640x32xf32, #tpu.memory_space<vmem>> -> memref<1x640x32xf32, #tpu.memory_space<vmem>>
    %dma_wait3A_118 = tpu.memref_squeeze %dma_wait3A_117 : memref<1x640x32xf32, #tpu.memory_space<vmem>> -> memref<640x32xf32, #tpu.memory_space<vmem>>
    %dma_wait3A_119 = arith.constant 0 : i32
    %dma_wait3A_120 = tpu.memref_slice %arg4[%add3A_112, %dma_wait3A_119] : memref<3276800x32xf32, #tpu.memory_space<hbm>> -> memref<640x32xf32, #tpu.memory_space<hbm>>
    %dma_wait3A_121 = tpu.memref_slice %arg8[%dma_wait3A_114] : memref<5x!tpu.dma_semaphore, #tpu.memory_space<semaphore_mem>> -> memref<1x!tpu.dma_semaphore, #tpu.memory_space<semaphore_mem>>
    %dma_wait3A_122 = tpu.memref_squeeze %dma_wait3A_121 : memref<1x!tpu.dma_semaphore, #tpu.memory_space<semaphore_mem>> -> memref<!tpu.dma_semaphore, #tpu.memory_space<semaphore_mem>>
    %dma_wait3A_123 = arith.constant 0 : i32
    %dma_wait3A_124 = tpu.memref_slice %arg4[%add3A_112, %dma_wait3A_123] : memref<3276800x32xf32, #tpu.memory_space<hbm>> -> memref<640x32xf32, #tpu.memory_space<hbm>>
    %dma_wait3A_125 = arith.constant 0 : i32
    %dma_wait3A_126 = arith.constant 0 : i32
    %dma_wait3A_127 = tpu.memref_slice %arg6[%dma_wait3A_113, %dma_wait3A_125, %dma_wait3A_126] : memref<5x640x32xf32, #tpu.memory_space<vmem>> -> memref<1x640x32xf32, #tpu.memory_space<vmem>>
    %dma_wait3A_128 = tpu.memref_squeeze %dma_wait3A_127 : memref<1x640x32xf32, #tpu.memory_space<vmem>> -> memref<640x32xf32, #tpu.memory_space<vmem>>
    tpu.wait_dma2 semaphore(%dma_wait3A_122 : memref<!tpu.dma_semaphore, #tpu.memory_space<semaphore_mem>>) src(%dma_wait3A_128 : memref<640x32xf32, #tpu.memory_space<vmem>>) dst(%dma_wait3A_124 : memref<640x32xf32, #tpu.memory_space<hbm>>)
    return
  }
}

</mosaic_0001>

<sc_bundles>
// kernel: _lookup.3.cloned.1.call-start
scs
__scs_entry_jumppad:
0x0: {  	(pc) =	sbr.rel $0x88, $3  }
0x1: {  	(tag) =	ssettag $0x0;
	lr =	simm.s32 $0x1  }
0x2: {  	[smem:$0x3F9F] =	sst lr;
	_ =	strace $0xD0000000  }
0x3: {  	_ = 	snop  }
0x4: {  	_ = 	snop  }
0x5: {  	_ = 	snop  }
0x6: {  	_ = 	snop  }
0x7: {  	_ = 	snop  }
__scs_overlays_trampoline_lowered:
0x8: {  	[smem:$0x3FAE] =	sst s0  }
0x9: {  	[smem:$0x3FAF] =	sst s1  }
0xa: {  	[smem:$0x3FB0] =	sst s2  }
0xb: {  	[smem:$0x3FB1] =	sst s3  }
0xc: {  	[smem:$0x3FB2] =	sst s4  }
0xd: {  	[smem:$0x3FB3] =	sst s5  }
0xe: {  	[smem:$0x3FB4] =	sst s6  }
0xf: {  	[smem:$0x3FB5] =	sst s7  }
0x10: {  	[smem:$0x3FB6] =	sst s8  }
0x11: {  	[smem:$0x3FB7] =	sst s9;
	s0 =	simm.s32 @!p0 $0x0  }
0x12: {  	s1 =	sld [smem:$0x3F9D];
	s0 =	simm.s32 @p0 $0x1  }
0x13: {  	[smem:$0x3FB8] =	sst s0;
	s0 =	simm.s32 @!p1 $0x0  }
0x14: {  	s2 =	sld [smem:$0x3F9C];
	s0 =	simm.s32 @p1 $0x1  }
0x15: {  	[smem:$0x3FB9] =	sst s0;
	s0 =	simm.s32 @!p2 $0x0  }
0x16: {  	s3 =	sld [smem:$0x3FDB];
	s0 =	simm.s32 @p2 $0x1  }
0x17: {  	s4 =	simm.s32 $0x1BF5;
	[smem:$0x3FBB] =	sst s0  }
0x18: {  	s0 =	sld [smem:$0x3F9E];
	_ =	swait.ge [sflag:s4], $0x0  }
0x19: {  	s7 =	sld [smem:$0x3F9F]  }
0x1a: {  	s8 =	sadd.s32 $0xFFFFE003, lr  }
0x1b: {  	s9 =	sadd.s32 $0xFFFFFEF7, lr;
	s5 =	simm.s32 $0xFFFFFFFF;
	p2 =	slt.u32 s8, $0xFFFFF086  }
0x1c: {  	p1 =	slt.u32 s9, $0xF7A;
	s5 =	simm.s32 @!p2 $0x0  }
0x1d: {  	s5 =	simm.s32 @p1 $0x1;
	p0 =	seq.s32 s7, s2  }
0x1e: {  	s7 =	smul.u32 @!p0 $0xF7A, s2;
	p2 =	seq.s32 @!p0 s5, $0x0  }
0x1f: {  	s9 =	smul.u32 $0xF7A, s1;
	s8 =	simm.s32 @!p0 $0x1BF5;
	p2 =	por !p2, p0  }
0x20: {  	[sflag:s8] =	ssyncset.s32 @!p0 $0xFFFFF086;
	s6 =	sadd.s32 @!p0 s3, s7;
	s7 =	simm.s32 @!p0 $0x108  }
0x21: {  	s3 =	sadd.s32 s3, s9;
	s6 =	sadd.s32 @!p0 $0x88, s6;
	s7 =	simm.s32 @p2 $0x1082  }
0x22: {  	[simem:s7], [sflag:s8] =	dma.local @!p0 [hbm:s6], $0xF7A  }
0x23: {  	s9 =	sor.u32 $0xD0000000, s2;
	s6 =	simm.s32 $0x108;
	_ =	swait.ge @!p0 [sflag:s8], $0x0  }
0x24: {  	s3 =	sadd.s32 $0x88, s3;
	s6 =	simm.s32 @!p1 $0x1082;
	[sflag:s4] =	ssyncset.s32 $0xFFFFF086  }
0x25: {  	[simem:s6], [sflag:s4] =	dma.local [hbm:s3], $0xF7A  }
0x26: {  	[smem:$0x3F9F] =	sst s1;
	(tag) =	ssettag s2;
	_ =	strace s9  }
0x27: {  	s1 =	sld [smem:$0x3FAF]  }
0x28: {  	s2 =	sld [smem:$0x3FB0]  }
0x29: {  	s4 =	sld [smem:$0x3FB2]  }
0x2a: {  	p0 =	seq.s32 s5, $0x0;
	s5 =	sld [smem:$0x3FB3]  }
0x2b: {  	s6 =	sld [smem:$0x3FB4]  }
0x2c: {  	s7 =	sld [smem:$0x3FB5]  }
0x2d: {  	s3 =	simm.s32 $0x108;
	s8 =	sld [smem:$0x3FB6]  }
0x2e: {  	s3 =	simm.s32 @!p0 $0x1082;
	s9 =	sld [smem:$0x3FB7]  }
0x2f: {  	lr =	sadd.s32 s0, s3;
	s0 =	sld [smem:$0x3FAE]  }
0x30: {  	s3 =	sld [smem:$0x3FB1]  }
0x31: {  	[smem:$0x3FBA] =	sst s10  }
0x32: {  	s10 =	sld [smem:$0x3FB8];
	_ =	sdelay $0x3  }
0x33: {  	p0 =	seq.s32 s10, $0x1;
	s10 =	sld [smem:$0x3FBA];
	_ =	sdelay $0x3  }
0x34: {  	[smem:$0x3FBA] =	sst s10  }
0x35: {  	s10 =	sld [smem:$0x3FB9];
	_ =	sdelay $0x3  }
0x36: {  	p1 =	seq.s32 s10, $0x1;
	s10 =	sld [smem:$0x3FBA];
	_ =	sdelay $0x3  }
0x37: {  	[smem:$0x3FBA] =	sst s10  }
0x38: {  	s10 =	sld [smem:$0x3FBB]  }
0x39: {  	_ = 	snop;
	(pc) =	sbr.ind lr, $3  }
0x3a: {  	_ = 	snop  }
0x3b: {  	_ = 	snop  }
0x3c: {  	p2 =	seq.s32 s10, $0x1;
	s10 =	sld [smem:$0x3FBA]  }
0x3d: {  	_ =	shalt  }
0x3e: {  	_ =	shalt  }
0x3f: {  	_ =	shalt  }
0x40: {  	_ =	shalt  }
0x41: {  	_ =	shalt  }
0x42: {  	_ =	shalt  }
0x43: {  	_ =	shalt  }
0x44: {  	_ =	shalt  }
0x45: {  	_ =	shalt  }
0x46: {  	_ =	shalt  }
0x47: {  	_ =	shalt  }
0x48: {  	_ =	shalt  }
0x49: {  	_ =	shalt  }
0x4a: {  	_ =	shalt  }
0x4b: {  	_ =	shalt  }
0x4c: {  	_ =	shalt  }
0x4d: {  	_ =	shalt  }
0x4e: {  	_ =	shalt  }
0x4f: {  	_ =	shalt  }
0x50: {  	_ =	shalt  }
0x51: {  	_ =	shalt  }
0x52: {  	_ =	shalt  }
0x53: {  	_ =	shalt  }
0x54: {  	_ =	shalt  }
0x55: {  	_ =	shalt  }
0x56: {  	_ =	shalt  }
0x57: {  	_ =	shalt  }
0x58: {  	_ =	shalt  }
0x59: {  	_ =	shalt  }
0x5a: {  	_ =	shalt  }
0x5b: {  	_ =	shalt  }
0x5c: {  	_ =	shalt  }
0x5d: {  	_ =	shalt  }
0x5e: {  	_ =	shalt  }
0x5f: {  	_ =	shalt  }
0x60: {  	_ =	shalt  }
0x61: {  	_ =	shalt  }
0x62: {  	_ =	shalt  }
0x63: {  	_ =	shalt  }
0x64: {  	_ =	shalt  }
0x65: {  	_ =	shalt  }
0x66: {  	_ =	shalt  }
0x67: {  	_ =	shalt  }
0x68: {  	_ =	shalt  }
0x69: {  	_ =	shalt  }
0x6a: {  	_ =	shalt  }
0x6b: {  	_ =	shalt  }
0x6c: {  	_ =	shalt  }
0x6d: {  	_ =	shalt  }
0x6e: {  	_ =	shalt  }
0x6f: {  	_ =	shalt  }
0x70: {  	_ =	shalt  }
0x71: {  	_ =	shalt  }
0x72: {  	_ =	shalt  }
0x73: {  	_ =	shalt  }
0x74: {  	_ =	shalt  }
0x75: {  	_ =	shalt  }
0x76: {  	_ =	shalt  }
0x77: {  	_ =	shalt  }
0x78: {  	_ =	shalt  }
0x79: {  	_ =	shalt  }
0x7a: {  	_ =	shalt  }
0x7b: {  	_ =	shalt  }
0x7c: {  	_ =	shalt  }
0x7d: {  	_ =	shalt  }
0x7e: {  	_ =	shalt  }
0x7f: {  	_ =	shalt  }
0x80: {  	_ =	shalt  }
0x81: {  	_ =	shalt  }
0x82: {  	_ =	shalt  }
0x83: {  	_ =	shalt  }
0x84: {  	_ =	shalt  }
0x85: {  	_ =	shalt  }
0x86: {  	_ =	shalt  }
0x87: {  	_ =	shalt  }
.Lfunc_end0:
.L_simem_size_0:
called_computation.1_lowered:
.L_overlay_start_0:
0x88: {  	s2 =	sld [smem:$0x3FD9]  }
0x89: {  	s3 =	sld [smem:$0x3FFE];
	_ =	sdelay $0x1  }
0x8a: {  	s1 =	srdreg.scid  }
0x8b: {  	s0 =	sand.u32 $0x1, s1  }
0x8c: {  	s17 =	sshll.u32 s0, $0xA;
	s2 =	sadd.s32 s3, s2  }
0x8d: {  	s2 =	sadd.s32 s2, s17  }
0x8e: {  	[smem:$0x3FC6] =	sst s2  }
0x8f: {  	_ = 	snop  }
0x90: {  	s2 =	sld [smem:$0x3FD0];
	(tm) =	ssettm $0x1  }
0x91: {  	s18 =	sld [smem:$0x3FFB];
	_ =	sdelay $0x3  }
0x92: {  	_ =	strace s18  }
0x93: {  	s3 =	sld [smem:$0x3FFC];
	_ =	sdelay $0x3  }
0x94: {  	_ =	strace s3  }
0x95: {  	s3 =	sld [smem:$0x3FFD];
	_ =	sdelay $0x3  }
0x96: {  	_ =	strace s3  }
0x97: {  	_ =	strace $0x8FFFFFFF  }
0x98: {  	s19 =	sld [smem:$0x3FDB];
	_ =	sdelay $0x1  }
0x99: {  	s4 =	simm.s32 $_scs_section_size  }
0x9a: {  	s5 =	simm.s32 $_size__tile_overlayer_lowered;
	s6 =	simm.s32 $_tile_overlayer_lowered  }
0x9b: {  	s22 =	simm.s32 $0x1BFF;
	s21 =	sshll.u32 s6, $0x1;
	s3 =	sadd.s32 s4, s19  }
0x9c: {  	s7 =	simm.s32 $0x0;
	s20 =	sshll.u32 s5, $0x1;
	s5 =	sadd.s32 s21, s3  }
0x9d: {  	[timem:s7], [sflag:s22] =	dma.local [hbm:s5], s20  }
0x9e: {  	_ =	swait.ge [sflag:s22], s20  }
0x9f: {  	s4 =	ssub.s32 $0x0, s20;
	[sflag:s22] =	ssyncset.done $0x0  }
0xa0: {  	[sflag:s22] =	ssyncadd.s32 s4;
	_ =	sdelay $0x1  }
0xa1: {  	s23 =	simm.s32 $0x1B8B  }
0xa2: {  	_ =	swait.ge [sflag:s23], $0x1  }
0xa3: {  	[sflag:s23] =	ssyncset.done $0x0  }
0xa4: {  	s25 =	simm.s32 $0x1B8E;
	s24 =	sld [smem:$0x3FFE];
	[sflag:s23] =	ssyncadd.s32 $0xFFFFFFFF  }
0xa5: {  	s26 =	simm.s32 $execute0_lowered;
	[smem:$0x3FD2] =	sst s25  }
0xa6: {  	s5 =	sshll.u32 s26, $0x1;
	_ =	strace $0x80000046;
	[dreg:$0x1] =	wrdreg $0xFFFFFFFF  }
0xa7: {  	s28 =	simm.s32 $_size_execute0_lowered;
	s3 =	sadd.s32 s3, s5;
	[dreg:$0x0] =	wrdreg $0x0  }
0xa8: {  	s5 =	sshll.u32 s28, $0x1;
	[dreg:$0x2] =	wrdreg s3  }
0xa9: {  	[dreg:$0x3] =	wrdreg s5  }
0xaa: {  	[dreg:$0x4] =	wrdreg $0xC0  }
0xab: {  	_ =	task [dreg:s7], $0x5FFFF  }
0xac: {  	[dreg:$0x1] =	wrdreg $0xFFFFFFFF  }
0xad: {  	[dreg:$0x0] =	wrdreg $0x60  }
0xae: {  	[dreg:$0x2] =	wrdreg s24  }
0xaf: {  	[dreg:$0x3] =	wrdreg s2  }
0xb0: {  	[dreg:$0x4] =	wrdreg $0x9  }
0xb1: {  	_ =	task.clear_ibuf [dreg:s7], $0x5FFFF;
	_ =	strace $0x90000046  }
0xb2: {  	s29 =	simm.s32 $0x9;
	_ =	strace $0x80000048  }
0xb3: {  	_ =	swait.ge [sflag:s29], $0x1  }
0xb4: {  	[sflag:s29] =	ssyncadd.s32 $0xFFFFFFFF  }
0xb5: {  	_ =	strace $0x90000048  }
0xb6: {  	_ =	sfence  }
0xb7: {  	s30 =	sld [smem:$0x0];
	_ =	sdelay $0x2  }
0xb8: {  	s31 =	sshll.u32 s1, $0xD;
	s1 =	sshrl.u32 s1, $0x2  }
0xb9: {  	s3 =	sand.u32 $0x4000, s31;
	s1 =	sadd.s32 s1, s30  }
0xba: {  	s0 =	sor.u32 s3, s0;
	s1 =	sshll.u32 s1, $0x11  }
0xbb: {  	s0 =	sor.u32 s1, s0  }
0xbc: {  	s0 =	sadd.s32 $0x8F2B, s0  }
0xbd: {  	[sflag:s0] =	ssyncadd.remote.s32 $0x1  }
0xbe: {  	_ =	sfence.sel $0xFFFF  }
0xbf: {  	[dreg:$0x0] =	wrdreg $0xFFFFFFFF;
	(pc) =	sbr.abs _section_cstart, $3  }
0xc0: {  	[dreg:$0x1] =	wrdreg $0xFFFFFFFF  }
0xc1: {  	_ =	task.clear_ibuf [dreg:s7], $0x2FFFF;
	_ =	strace $0x9FFFFFFF  }
0xc2: {  	(tm) =	ssettm $0x7FFFFFFF  }
0xc3: {  	_ =	shalt  }
tec
execute0_lowered:
.L_overlay_start_1:
0x0: {  	(tag) =	ssettag $0x1  }
0x1: {  	s0 =	rddreg [dreg:$0x0];
	s1 =	srdreg.scid  }
0x2: {  	s7 =	stileid.u32;
	s10 =	rddreg [dreg:$0x1];
	s3 =	simm.s32 $0x0  }
0x3: {  	s28 =	simm.s32 $0xFC80;
	s29 =	simm.s32 $0x3;
	s30 =	simm.s32 $0xA00  }
0x4: {  	s31 =	simm.s32 $0x14C80;
	s1 =	sand.u32 $0x1, s1;
	s6 =	smul.u32 $0xC8000, s7  }
0x5: {  	s2 =	sshll.u32 s7, $0x1;
	[smem:$0x7FF] =	sst s3;
	s7 =	smul.u32 $0x32000, s7  }
0x6: {  	s5 =	sadd.s32 $0x800, s0;
	s4 =	sadd.s32 $0xFA6C00, s0;
	s9 =	smul.u32 $0x19000, s1  }
0x7: {  	s2 =	sor.u32 s1, s2;
	s17 =	ssub.s32 $0x2, s1;
	s1 =	smul.u32 $0x64000, s1  }
0x8: {  	_ =	strace $0x80000047;
	s2 =	smul.u32 $0x19000, s2;
	s8 =	sshrl.u32 s17, $0x1  }
0x9: {  	s0 =	ssub.s32 s17, s8;
	s18 =	sadd.s32 s9, s7;
	s6 =	sadd.s32 s1, s6  }
0xa: {  	s7 =	simm.s32 $0x8;
	s8 =	simm.s32 $0x0;
	s2 =	sshrl.u32 s2, $0x3  }
0xb: {  	s0 =	smax.u32 s0, $0x1;
	s19 =	sor.u32 $0xA00, s18;
	s20 =	sor.u32 $0x780, s18  }
0xc: {  	[dreg:$0x6] =	wrdreg s6;
	s9 =	sadd.s32 s10, s6;
	s22 =	sor.u32 $0x500, s18  }
0xd: {  	s24 =	sor.u32 $0xF00, s18;
	s25 =	sor.u32 $0xC80, s18;
	s2 =	sadd.s32 s5, s2  }
0xe: {  	[dreg:$0x5] =	wrdreg s0;
	s1 =	sshrl.u32 s19, $0x3;
	s21 =	sshll.u32 s20, $0x2  }
0xf: {  	s23 =	sshll.u32 s22, $0x2;
	s0 =	sshll.u32 s18, $0x2;
	s18 =	simm.s32 $0xB  }
0x10: {  	s19 =	simm.s32 $0x280;
	[dreg:$0x3] =	wrdreg s2;
	s2 =	sadd.s32 $0x50, s2  }
0x11: {  	s1 =	sadd.s32 s1, s5;
	s11 =	sadd.s32 s21, s10;
	s13 =	sadd.s32 s23, s10  }
0x12: {  	s0 =	sadd.s32 s0, s10;
	s21 =	simm.s32 $0x5C80;
	[dreg:$0x4] =	wrdreg s2  }
0x13: {  	s23 =	simm.s32 $0x500;
	[dreg:$0x7] =	wrdreg s1;
	s2 =	sshrl.u32 s20, $0x3  }
0x14: {  	s1 =	sshrl.u32 s22, $0x3;
	s17 =	sadd.s32 $0xA00, s0;
	s20 =	simm.s32 $0xC80  }
0x15: {  	s22 =	simm.s32 $0x1;
	s0 =	simm.s32 $0x5;
	s2 =	sadd.s32 s2, s5  }
.Ltmp0:
0x16: {  	s1 =	sadd.s32 s1, s5;
	[dreg:$0x8] =	wrdreg s2;
	(pc) =	sbr.rel .LBB2_1-.Ltmp0, $4  }
0x17: {  	[dreg:$0x9] =	wrdreg s1;
	s1 =	sshrl.u32 s24, $0x3;
	s2 =	sshrl.u32 s25, $0x3  }
0x18: {  	s24 =	simm.s32 $0xAC80;
	s25 =	simm.s32 $0x2;
	s1 =	sadd.s32 s1, s5  }
0x19: {  	s26 =	sadd.s32 s2, s5;
	s5 =	simm.s32 $0x9;
	[dreg:$0xa] =	wrdreg s1  }
0x1a: {  	[dreg:$0xb] =	wrdreg s26;
	s26 =	simm.s32 $0x780;
	s1 =	simm.s32 $0x4  }
.LBB2_4:
0x1b: {  	s6 =	rddreg [dreg:$0x6];
	_ =	swait.ge [sflag:s0], $0x5000  }
0x1c: {  	s2 =	sadd.s32 s2, s6;
	[sflag:s0] =	ssyncset.done $0x0  }
0x1d: {  	s2 =	sadd.s32 $0x2800, s2;
	[sflag:s0] =	ssyncadd.s32 $0xFFFFB000  }
0x1e: {  	s2 =	sand.u32 $0x1FFFF600, s2;
	s10 =	rddreg [dreg:$0x1]  }
0x1f: {  	s12 =	simm.s32 $0x6;
	s2 =	sadd.s32 s10, s2  }
0x20: {  	[hbm4b:s2+s3] =	stream.linear.scatter [tilespmem:s31], [sflag:$0xA], $0x5000, $0x38;
	[tilespmem:$0x19C80] =	vst v63  }
0x21: {  	_ =	swait.ge [sflag:s12], $0x5000  }
0x22: {  	[sflag:s12] =	ssyncset.done $0x0  }
0x23: {  	s14 =	simm.s32 $0x7;
	[sflag:s12] =	ssyncadd.s32 $0xFFFFB000  }
0x24: {  	_ =	swait.ge [sflag:s14], $0x5000  }
0x25: {  	[sflag:s14] =	ssyncset.done $0x0  }
0x26: {  	[sflag:s14] =	ssyncadd.s32 $0xFFFFB000  }
0x27: {  	_ =	swait.ge [sflag:s7], $0x5000  }
0x28: {  	[sflag:s7] =	ssyncset.done $0x0  }
0x29: {  	[sflag:s7] =	ssyncadd.s32 $0xFFFFB000  }
0x2a: {  	_ =	swait.ge [sflag:s5], $0x5000  }
0x2b: {  	[sflag:s5] =	ssyncset.done $0x0  }
0x2c: {  	s15 =	simm.s32 $0xA;
	[sflag:s5] =	ssyncadd.s32 $0xFFFFB000  }
0x2d: {  	_ =	swait.ge [sflag:s15], $0x5000  }
0x2e: {  	s8 =	rddreg [dreg:$0xc]  }
0x2f: {  	s16 =	rddreg [dreg:$0x5];
	s8 =	sadd.s32 $0x1, s8  }
0x30: {  	p0 =	sne.s32 s8, s16  }
.Ltmp1:
0x31: {  	_ = 	snop;
	(pc) =	sbr.rel @!p0 .LBB2_5-.Ltmp1, $3  }
0x32: {  	_ =	sdelay $0x1  }
0x33: {  	[sflag:s15] =	ssyncset.done $0x0  }
0x34: {  	[sflag:s15] =	ssyncadd.s32 $0xFFFFB000  }
.LBB2_1:
0x35: {  	[dreg:$0xc] =	wrdreg s8  }
0x36: {  	s2 =	rddreg [dreg:$0x3]  }
0x37: {  	[tilespmem:s3], [sflag:$0xB] =	stream.linear.gather [hbm4b:s2+s3], $0x280, $0x38;
	[tilespmem:$0x19C80] =	vst v63  }
0x38: {  	_ =	swait.ge [sflag:s18], $0x280  }
0x39: {  	[sflag:s18] =	ssyncset.done $0x0  }
0x3a: {  	[sflag:s18] =	ssyncadd.s32 $0xFFFFFD80  }
0x3b: {  	[tilespmem:s20], [sflag:$0x1] =	stream.indirect.gather [hbm4b:s4+s19], $0x20, s3, s19, $0xb8;
	[tilespmem:$0x19C80] =	vst v63  }
0x3c: {  	s16 =	rddreg [dreg:$0x4]  }
0x3d: {  	[tilespmem:s19], [sflag:$0xB] =	stream.linear.gather [hbm4b:s16+s3], $0x280, $0x38;
	[tilespmem:$0x19C80] =	vst v63  }
0x3e: {  	_ =	swait.ge [sflag:s18], $0x280  }
0x3f: {  	s16 =	rddreg [dreg:$0xb]  }
0x40: {  	s15 =	rddreg [dreg:$0xa]  }
0x41: {  	s14 =	rddreg [dreg:$0x9]  }
0x42: {  	[sflag:s18] =	ssyncset.done $0x0;
	s12 =	rddreg [dreg:$0x8]  }
0x43: {  	s2 =	simm.s32 $0x0;
	s6 =	rddreg [dreg:$0x7];
	[sflag:s18] =	ssyncadd.s32 $0xFFFFFD80  }
0x44: {  	[tilespmem:s21], [sflag:$0x2] =	stream.indirect.gather [hbm4b:s4+s19], $0x20, s19, s19, $0xb8;
	[tilespmem:$0x19C80] =	vst v63  }
.LBB2_2:
0x45: {  	_ =	swait.ge [sflag:s22], $0x5000  }
0x46: {  	p0 =	seq.s32 s2, $0x0;
	[sflag:s22] =	ssyncset.done $0x0  }
0x47: {  	s8 =	sadd.s32 s2, s9;
	s10 =	simm.s32 @!p0 $0xA;
	[sflag:s22] =	ssyncadd.s32 $0xFFFFB000  }
0x48: {  	[hbm4b:s8+s3] =	stream.linear.scatter [tilespmem:s20], [sflag:$0x6], $0x5000, $0x38;
	[tilespmem:$0x19C80] =	vst v63  }
0x49: {  	_ =	swait.ge @!p0 [sflag:s10], $0x5000  }
0x4a: {  	[sflag:s10] =	ssyncset.done @!p0 $0x0  }
0x4b: {  	[sflag:s10] =	ssyncadd.s32 @!p0 $0xFFFFB000  }
0x4c: {  	[tilespmem:s23], [sflag:$0xB] =	stream.linear.gather [hbm4b:s14+s3], $0x280, $0x38;
	[tilespmem:$0x19C80] =	vst v63  }
0x4d: {  	_ =	swait.ge [sflag:s18], $0x280  }
0x4e: {  	[sflag:s18] =	ssyncset.done $0x0  }
0x4f: {  	[sflag:s18] =	ssyncadd.s32 $0xFFFFFD80  }
0x50: {  	[tilespmem:s24], [sflag:$0x3] =	stream.indirect.gather [hbm4b:s4+s19], $0x20, s23, s19, $0xb8;
	[tilespmem:$0x19C80] =	vst v63  }
0x51: {  	_ =	swait.ge [sflag:s25], $0x5000  }
0x52: {  	[sflag:s25] =	ssyncset.done $0x0  }
0x53: {  	s10 =	sadd.s32 s2, s17;
	[sflag:s25] =	ssyncadd.s32 $0xFFFFB000  }
0x54: {  	[hbm4b:s10+s3] =	stream.linear.scatter [tilespmem:s21], [sflag:$0x7], $0x5000, $0x38;
	[tilespmem:$0x19C80] =	vst v63  }
0x55: {  	s10 =	simm.s32 @!p0 $0x6  }
0x56: {  	_ =	swait.ge @!p0 [sflag:s10], $0x5000  }
0x57: {  	[sflag:s10] =	ssyncset.done @!p0 $0x0  }
0x58: {  	[sflag:s10] =	ssyncadd.s32 @!p0 $0xFFFFB000  }
0x59: {  	[tilespmem:s26], [sflag:$0xB] =	stream.linear.gather [hbm4b:s12+s3], $0x280, $0x38;
	[tilespmem:$0x19C80] =	vst v63  }
0x5a: {  	_ =	swait.ge [sflag:s18], $0x280  }
0x5b: {  	[sflag:s18] =	ssyncset.done $0x0  }
0x5c: {  	[sflag:s18] =	ssyncadd.s32 $0xFFFFFD80  }
0x5d: {  	[tilespmem:s28], [sflag:$0x4] =	stream.indirect.gather [hbm4b:s4+s19], $0x20, s26, s19, $0xb8;
	[tilespmem:$0x19C80] =	vst v63  }
0x5e: {  	_ =	swait.ge [sflag:s29], $0x5000  }
0x5f: {  	[sflag:s29] =	ssyncset.done $0x0  }
0x60: {  	s10 =	sadd.s32 s2, s13;
	[sflag:s29] =	ssyncadd.s32 $0xFFFFB000  }
0x61: {  	[hbm4b:s10+s3] =	stream.linear.scatter [tilespmem:s24], [sflag:$0x8], $0x5000, $0x38;
	[tilespmem:$0x19C80] =	vst v63  }
0x62: {  	s10 =	simm.s32 @!p0 $0x7  }
0x63: {  	_ =	swait.ge @!p0 [sflag:s10], $0x5000  }
0x64: {  	[sflag:s10] =	ssyncset.done @!p0 $0x0  }
0x65: {  	[sflag:s10] =	ssyncadd.s32 @!p0 $0xFFFFB000  }
0x66: {  	[tilespmem:s30], [sflag:$0xB] =	stream.linear.gather [hbm4b:s6+s3], $0x280, $0x38;
	[tilespmem:$0x19C80] =	vst v63  }
0x67: {  	_ =	swait.ge [sflag:s18], $0x280  }
0x68: {  	[sflag:s18] =	ssyncset.done $0x0  }
0x69: {  	p0 =	seq.s32 s2, $0x60E00;
	[sflag:s18] =	ssyncadd.s32 $0xFFFFFD80  }
0x6a: {  	[tilespmem:s31], [sflag:$0x5] =	stream.indirect.gather [hbm4b:s4+s19], $0x20, s30, s19, $0xb8;
	[tilespmem:$0x19C80] =	vst v63  }
.Ltmp2:
0x6b: {  	_ = 	snop;
	(pc) =	sbr.rel @p0 .LBB2_4-.Ltmp2, $4  }
0x6c: {  	_ =	swait.ge [sflag:s1], $0x5000  }
0x6d: {  	[sflag:s1] =	ssyncset.done $0x0  }
0x6e: {  	s10 =	sadd.s32 s2, s11;
	[sflag:s1] =	ssyncadd.s32 $0xFFFFB000  }
0x6f: {  	[hbm4b:s10+s3] =	stream.linear.scatter [tilespmem:s28], [sflag:$0x9], $0x5000, $0x38;
	[tilespmem:$0x19C80] =	vst v63  }
0x70: {  	_ =	swait.ge [sflag:s7], $0x5000  }
0x71: {  	[sflag:s7] =	ssyncset.done $0x0  }
0x72: {  	[sflag:s7] =	ssyncadd.s32 $0xFFFFB000  }
0x73: {  	[tilespmem:s3], [sflag:$0xB] =	stream.linear.gather [hbm4b:s16+s3], $0x280, $0x38;
	[tilespmem:$0x19C80] =	vst v63  }
0x74: {  	_ =	swait.ge [sflag:s18], $0x280  }
0x75: {  	[sflag:s18] =	ssyncset.done $0x0  }
0x76: {  	[sflag:s18] =	ssyncadd.s32 $0xFFFFFD80  }
0x77: {  	[tilespmem:s20], [sflag:$0x1] =	stream.indirect.gather [hbm4b:s4+s19], $0x20, s3, s19, $0xb8;
	[tilespmem:$0x19C80] =	vst v63  }
0x78: {  	_ =	swait.ge [sflag:s0], $0x5000  }
0x79: {  	[sflag:s0] =	ssyncset.done $0x0  }
0x7a: {  	s8 =	sadd.s32 $0x2800, s8;
	[sflag:s0] =	ssyncadd.s32 $0xFFFFB000  }
0x7b: {  	[hbm4b:s8+s3] =	stream.linear.scatter [tilespmem:s31], [sflag:$0xA], $0x5000, $0x38;
	[tilespmem:$0x19C80] =	vst v63  }
0x7c: {  	_ =	swait.ge [sflag:s5], $0x5000  }
0x7d: {  	[sflag:s5] =	ssyncset.done $0x0  }
0x7e: {  	[sflag:s5] =	ssyncadd.s32 $0xFFFFB000  }
0x7f: {  	[tilespmem:s19], [sflag:$0xB] =	stream.linear.gather [hbm4b:s15+s3], $0x280, $0x38;
	[tilespmem:$0x19C80] =	vst v63  }
.Ltmp3:
0x80: {  	_ = 	snop;
	(pc) =	sbr.rel .LBB2_2-.Ltmp3, $4  }
0x81: {  	s2 =	sadd.s32 $0x3200, s2;
	s6 =	sadd.s32 $0x190, s6;
	_ =	swait.ge [sflag:s18], $0x280  }
0x82: {  	s12 =	sadd.s32 $0x190, s12;
	s14 =	sadd.s32 $0x190, s14;
	[sflag:s18] =	ssyncset.done $0x0  }
0x83: {  	s16 =	sadd.s32 $0x190, s16;
	s15 =	sadd.s32 $0x190, s15;
	[sflag:s18] =	ssyncadd.s32 $0xFFFFFD80  }
0x84: {  	[tilespmem:s21], [sflag:$0x2] =	stream.indirect.gather [hbm4b:s4+s19], $0x20, s19, s19, $0xb8;
	[tilespmem:$0x19C80] =	vst v63  }
.LBB2_5:
0x85: {  	_ =	sfence.sel $0x180000  }
0x86: {  	[bflag:$0x0] =	sbarrier.arrive $0xFFFF  }
0x87: {  	_ =	strace $0x90000047  }
0x88: {  	s0 =	stileid.u32;
	[bflag:$0x2] =	sbarrier.arrive $0xFFFF  }
0x89: {  	p0 =	sne.s32 s0, $0x0;
	s0 =	rddreg [dreg:$0x2]  }
0x8a: {  	s0 =	sadd.s32 @!p0 $0x100000, s0  }
0x8b: {  	[sflag:s0] =	ssyncadd.tile.s32 @!p0 $0x1;
	_ =	shalt  }
.Lfunc_end2:
_tile_overlayer_lowered:
.L_overlay_start_2:
0x8c: {  	(tag) =	ssettag $0x2  }
0x8d: {  	s0 =	rddreg [dreg:$0x0];
	s2 =	stileid.u32  }
0x8e: {  	s1 =	rddreg [dreg:$0x1];
	p0 =	sne.s32 s2, $0x0  }
0x8f: {  	s3 =	rddreg [dreg:$0x2];
	[bflag:$0x3] =	sbarrier.arrive $0xFFFF;
	s2 =	simm.s32 @!p0 $0x1C0B  }
0x90: {  	[timem:s3], [sflag:s2] =	dma.local @!p0 [hbm:s0], s1  }
0x91: {  	s0 =	simm.s32 @!p0 $0xB  }
0x92: {  	_ =	swait.ge @!p0 [sflag:s0], s1  }
0x93: {  	s1 =	ssub.s32 @!p0 $0x0, s1;
	[sflag:s0] =	ssyncset.done @!p0 $0x0  }
0x94: {  	[sflag:s0] =	ssyncadd.s32 @!p0 s1  }
0x95: {  	[bflag:$0x3] =	sbarrier.arrive $0xFFFF  }
0x96: {  	_ =	shalt  }

// kernel: sparse-core-data-format-call.cloned.1.call-start
scs
called_computation_lowered:
.L_overlay_start_0:
0x0: {  	s2 =	sld [smem:$0x3FD9]  }
0x1: {  	s3 =	sld [smem:$0x3FFE];
	_ =	sdelay $0x1  }
0x2: {  	s1 =	srdreg.scid  }
0x3: {  	s0 =	sand.u32 $0x1, s1  }
0x4: {  	s18 =	sshll.u32 s0, $0xA;
	s2 =	sadd.s32 s3, s2  }
0x5: {  	s2 =	sadd.s32 s2, s18  }
0x6: {  	[smem:$0x3FC6] =	sst s2  }
0x7: {  	_ = 	snop  }
0x8: {  	s2 =	sld [smem:$0x3FD0];
	(tm) =	ssettm $0x1  }
0x9: {  	s19 =	sld [smem:$0x3FFB];
	_ =	sdelay $0x3  }
0xa: {  	_ =	strace s19  }
0xb: {  	s3 =	sld [smem:$0x3FFC];
	_ =	sdelay $0x3  }
0xc: {  	_ =	strace s3  }
0xd: {  	s3 =	sld [smem:$0x3FFD];
	_ =	sdelay $0x3  }
0xe: {  	_ =	strace s3  }
0xf: {  	_ =	strace $0x8FFFFFFF  }
0x10: {  	s20 =	sld [smem:$0x3FDB];
	_ =	sdelay $0x1  }
0x11: {  	s4 =	simm.s32 $_scs_section_size  }
0x12: {  	s5 =	simm.s32 $_size__tile_overlayer_lowered;
	s6 =	simm.s32 $_tile_overlayer_lowered  }
0x13: {  	s23 =	simm.s32 $0x1BFF;
	s22 =	sshll.u32 s6, $0x1;
	s3 =	sadd.s32 s4, s20  }
0x14: {  	s7 =	simm.s32 $0x0;
	s21 =	sshll.u32 s5, $0x1;
	s5 =	sadd.s32 s22, s3  }
0x15: {  	[timem:s7], [sflag:s23] =	dma.local [hbm:s5], s21  }
0x16: {  	_ =	swait.ge [sflag:s23], s21  }
0x17: {  	s4 =	ssub.s32 $0x0, s21;
	[sflag:s23] =	ssyncset.done $0x0  }
0x18: {  	[sflag:s23] =	ssyncadd.s32 s4;
	_ =	sdelay $0x1  }
0x19: {  	s24 =	simm.s32 $0x1B8B  }
0x1a: {  	_ =	swait.ge [sflag:s24], $0x1  }
0x1b: {  	[sflag:s24] =	ssyncset.done $0x0  }
0x1c: {  	s26 =	simm.s32 $0x1B8E;
	s25 =	sld [smem:$0x3FFE];
	[sflag:s24] =	ssyncadd.s32 $0xFFFFFFFF  }
0x1d: {  	s27 =	simm.s32 $execute0_lowered;
	[smem:$0x3FD2] =	sst s26  }
0x1e: {  	s5 =	sshll.u32 s27, $0x1;
	_ =	strace $0x80000049;
	[dreg:$0x1] =	wrdreg $0xFFFFFFFF  }
0x1f: {  	s28 =	simm.s32 $_size_execute0_lowered;
	s3 =	sadd.s32 s3, s5;
	[dreg:$0x0] =	wrdreg $0x0  }
0x20: {  	s5 =	sshll.u32 s28, $0x1;
	[dreg:$0x2] =	wrdreg s3  }
0x21: {  	[dreg:$0x3] =	wrdreg s5  }
0x22: {  	[dreg:$0x4] =	wrdreg $0xC0  }
0x23: {  	_ =	task [dreg:s7], $0x5FFFF  }
0x24: {  	[dreg:$0x1] =	wrdreg $0xFFFFFFFF  }
0x25: {  	[dreg:$0x0] =	wrdreg $0x60  }
0x26: {  	[dreg:$0x2] =	wrdreg s25  }
0x27: {  	[dreg:$0x3] =	wrdreg s2  }
0x28: {  	[dreg:$0x4] =	wrdreg $0x9  }
0x29: {  	_ =	task.clear_ibuf [dreg:s7], $0x5FFFF;
	_ =	strace $0x90000049  }
0x2a: {  	s29 =	simm.s32 $0x9;
	_ =	strace $0x8000004B  }
0x2b: {  	_ =	swait.ge [sflag:s29], $0x1  }
0x2c: {  	[sflag:s29] =	ssyncadd.s32 $0xFFFFFFFF  }
0x2d: {  	_ =	strace $0x9000004B  }
0x2e: {  	_ =	sfence  }
0x2f: {  	s30 =	sld [smem:$0x0];
	_ =	sdelay $0x2  }
0x30: {  	s31 =	sshll.u32 s1, $0xD;
	s1 =	sshrl.u32 s1, $0x2  }
0x31: {  	s3 =	sand.u32 $0x4000, s31;
	s1 =	sadd.s32 s1, s30  }
0x32: {  	s0 =	sor.u32 s3, s0;
	s1 =	sshll.u32 s1, $0x11  }
0x33: {  	s0 =	sor.u32 s1, s0  }
0x34: {  	s0 =	sadd.s32 $0x8F2B, s0  }
0x35: {  	[sflag:s0] =	ssyncadd.remote.s32 $0x1  }
0x36: {  	_ =	sfence.sel $0xFFFF  }
0x37: {  	[dreg:$0x0] =	wrdreg $0xFFFFFFFF;
	(pc) =	sbr.abs _section_cstart, $3  }
0x38: {  	[dreg:$0x1] =	wrdreg $0xFFFFFFFF  }
0x39: {  	_ =	task.clear_ibuf [dreg:s7], $0x2FFFF;
	_ =	strace $0x9FFFFFFF  }
0x3a: {  	(tm) =	ssettm $0x7FFFFFFF  }
0x3b: {  	_ =	shalt  }
tec
execute0_lowered:
.L_overlay_start_1:
0x0: {  	(tag) =	ssettag $0x1  }
0x1: {  	s0 =	srdreg.scid  }
0x2: {  	s1 =	sshll.u32 s0, $0x4  }
0x3: {  	s4 =	rddreg [dreg:$0x0];
	s0 =	stileid.u32;
	s1 =	sand.u32 $0x10, s1  }
0x4: {  	s2 =	rddreg [dreg:$0x1];
	s7 =	simm.s32 $0x1;
	s1 =	sor.u32 s0, s1  }
0x5: {  	s8 =	simm.s32 $0x2;
	s11 =	simm.s32 $0x0;
	s3 =	sshll.u32 s1, $0x7  }
0x6: {  	s10 =	simm.s32 $0x0;
	s4 =	sadd.s32 $0x800, s4;
	s6 =	ssub.s32 $0x320000, s3  }
.Ltmp0:
0x7: {  	s1 =	rddreg [dreg:$0x2];
	s5 =	sand.u32 $0xF80, s6;
	(pc) =	sbr.rel .LBB1_1-.Ltmp0, $4  }
0x8: {  	_ =	strace $0x8000004A;
	s9 =	smov.u32 s3;
	p0 =	sne.s32 s5, $0x0  }
0x9: {  	s6 =	sshrl.u32 s6, $0xC;
	s5 =	simm.s32 $0x1;
	s7 =	simm.s32 @!p0 $0x0  }
0xa: {  	[sflag:s5] =	ssyncpa.u1 $0x0;
	p0 =	por $0x0, $0x0;
	s6 =	sadd.s32 s7, s6  }
0xb: {  	[sflag:s8] =	ssyncpa.u1 $0x0;
	s8 =	simm.s32 $0x1900000;
	s7 =	sadd.s32 $0x1, s6  }
.LBB1_4:
0xc: {  	s14 =	sshll.u32 s11, $0x3  }
0xd: {  	s30 =	sand.u32 $0x7F, s11;
	s15 =	sand.u32 $0xFFFFFC00, s14  }
0xe: {  	s11 =	sor.u32 s30, s15  }
0xf: {  	s15 =	smulhi.u32 $0x51EB851F, s11  }
0x10: {  	s14 =	smulhi.u32 $0x51EB851F, s14  }
0x11: {  	s15 =	sshrl.u32 s15, $0x14  }
0x12: {  	s14 =	sshrl.u32 s14, $0x14;
	s15 =	smul.u32 $0x320000, s15  }
0x13: {  	s14 =	sand.u32 $0x1F, s14  }
0x14: {  	s14 =	smul.u32 $0x64000, s14;
	s11 =	ssub.s32 s11, s15  }
0x15: {  	s15 =	sand.u32 $0x7, s11  }
0x16: {  	s14 =	sadd.s32 s2, s14;
	s11 =	sshrl.u32 s11, $0x3;
	s15 =	sshll.u32 s15, $0x12  }
0x17: {  	[tilespmem:s13+$0x0 ss:$0x81] =	vst.msk $0xffff, v0;
	s11 =	sadd.s32 s11, s14;
	s31 =	sor.u32 $0x400, s15  }
0x18: {  	[hbm4b:s11+s31] =	stream.strided.scatter [tilespmem:s12], [sflag:$0x2], $0x1000, s8, s31, $0x20;
	[tilespmem:$0x4040] =	vst v63  }
.LBB1_5:
0x19: {  	s13 =	sadd.s32 $0x1000, s9  }
0x1a: {  	p2 =	sgt.s32 s13, $0x31FFFF  }
0x1b: {  	s13 =	smov.u32 @p2 s3;
	p2 =	sne.s32 s10, s7  }
.Ltmp1:
0x1c: {  	p1 =	slt.u32 s10, $0x2;
	(pc) =	sbr.rel @!p2 .LBB1_6-.Ltmp1, $4  }
0x1d: {  	s12 =	simm.s32 @!p1 $0x2  }
0x1e: {  	s14 =	sadd.s32 $0x1, s10;
	_ =	swait.ge @!p1 [sflag:s12], $0x1000  }
0x1f: {  	s11 =	smov.u32 s9;
	p0 =	por !p0, !p0;
	[sflag:s12] =	ssyncset.done @!p1 $0x0  }
0x20: {  	s10 =	smov.u32 s14;
	s9 =	smov.u32 s13;
	[sflag:s12] =	ssyncadd.s32 @!p1 $0xFFFFF000  }
.LBB1_1:
0x21: {  	p1 =	sge.u32 s10, s6  }
0x22: {  	s12 =	sand.u32 @!p1 $0x1FFFFFF, s9  }
0x23: {  	s13 =	smulhi.u32 @!p1 $0x147AE15, s12;
	_ =	sdelay $0x1  }
0x24: {  	s13 =	sshrl.u32 @!p1 s13, $0xE  }
0x25: {  	s13 =	smul.u32 @!p1 $0x320000, s13;
	_ =	sdelay $0x1  }
0x26: {  	s31 =	sadd.s32 $0xFFFFFFFF, s10;
	s14 =	sxor.u32 @!p1 $0xFFFFFFFF, s10;
	s12 =	ssub.s32 @!p1 s12, s13  }
0x27: {  	s15 =	simm.s32 @!p1 $0x80;
	s14 =	sshll.u32 @!p1 s14, $0xC;
	s12 =	sshll.u32 @!p1 s12, $0x4  }
0x28: {  	s13 =	sand.u32 @!p1 $0x1000, s14;
	s14 =	simm.s32 @!p1 $0x20;
	s12 =	sadd.s32 @!p1 s4, s12  }
0x29: {  	[tilespmem:s13], [sflag:$0x1] =	stream.strided.gather @!p1 [hbm4b:s12+s14], $0x1000, s15, s14, $0x38;
	[tilespmem:$0x4040] =	vst v63  }
0x2a: {  	p1 =	sge.u32 s31, s6  }
.Ltmp2:
0x2b: {  	_ = 	snop;
	(pc) =	sbr.rel @p1 .LBB1_5-.Ltmp2, $1  }
0x2c: {  	_ =	sdelay $0x3  }
0x2d: {  	s12 =	simm.s32 $0x1  }
0x2e: {  	_ =	swait.ge [sflag:s5], $0x1000;
	s12 =	simm.s32 @!p0 $0x0  }
0x2f: {  	[sflag:s5] =	ssyncset.done $0x0;
	s13 =	sshll.u32 s12, $0xC  }
0x30: {  	[sflag:s5] =	ssyncadd.s32 $0xFFFFF000;
	s16 =	sor.u32 $0x10, s13  }
0x31: {  	s12 =	smul.u32 $0x4080, s12;
	v1 =	vld [tilespmem:s16+$0x0]  }
0x32: {  	s30 =	sand.u32 $0x1, s10;
	v0 =	vld [tilespmem:s16+$0xFFFFFFF0]  }
0x33: {  	s13 =	smul.u32 $0x4080, s30;
	s12 =	sshrl.u32 s12, $0x2  }
0x34: {  	s14 =	sor.u32 $0x2000, s12  }
0x35: {  	s31 =	sshrl.u32 s13, $0x2;
	s13 =	sadd.s32 $0x0, s14  }
0x36: {  	s15 =	simm.s32 $0x4;
	s16 =	sadd.s32 $0x20, s16;
	s12 =	sor.u32 $0x2000, s31;
	[tilespmem:s13+$0x810 ss:$0x81] =	vst.msk $0xffff, v1  }
.LBB1_3:
0x37: {  	v1 =	vld [tilespmem:s16+$0x0];
	p1 =	sne.s32 s15, $0x1FC;
	[tilespmem:s13+$0x0 ss:$0x81] =	vst.msk $0xffff, v0;
	s13 =	smov.u32 s15;
	s15 =	sadd.s32 $0x4, s15  }
.Ltmp3:
0x38: {  	v0 =	vld [tilespmem:s16+$0xFFFFFFF0];
	(pc) =	sbr.rel @p1 .LBB1_3-.Ltmp3, $4  }
0x39: {  	_ = 	snop  }
0x3a: {  	s13 =	sshra.s32 s13, $0x2  }
0x3b: {  	s13 =	sadd.s32 s13, s14  }
0x3c: {  	s16 =	sadd.s32 $0x20, s16;
	[tilespmem:s13+$0x810 ss:$0x81] =	vst.msk $0xffff, v1  }
.Ltmp4:
0x3d: {  	_ = 	snop;
	(pc) =	sbr.rel .LBB1_4-.Ltmp4, $1  }
0x3e: {  	_ =	sdelay $0x3  }
.LBB1_6:
0x3f: {  	_ =	sfence.sel $0x180000  }
0x40: {  	s2 =	simm.s32 $0x1;
	[bflag:$0x0] =	sbarrier.arrive $0xFFFF  }
0x41: {  	s31 =	simm.s32 $0x2;
	[sflag:s2] =	ssyncpa.u1 $0x1  }
0x42: {  	[sflag:s31] =	ssyncpa.u1 $0x1  }
0x43: {  	p0 =	sne.s32 s0, $0x0;
	_ =	strace $0x9000004A  }
0x44: {  	s0 =	sadd.s32 @!p0 $0x100000, s1;
	[bflag:$0x2] =	sbarrier.arrive $0xFFFF  }
0x45: {  	[sflag:s0] =	ssyncadd.tile.s32 @!p0 $0x1;
	_ =	shalt  }
.Lfunc_end1:
_tile_overlayer_lowered:
.L_overlay_start_2:
0x46: {  	(tag) =	ssettag $0x2  }
0x47: {  	s0 =	rddreg [dreg:$0x0];
	s2 =	stileid.u32  }
0x48: {  	s1 =	rddreg [dreg:$0x1];
	p0 =	sne.s32 s2, $0x0  }
0x49: {  	s3 =	rddreg [dreg:$0x2];
	[bflag:$0x3] =	sbarrier.arrive $0xFFFF;
	s2 =	simm.s32 @!p0 $0x1C01  }
0x4a: {  	[timem:s3], [sflag:s2] =	dma.local @!p0 [hbm:s0], s1  }
0x4b: {  	s0 =	simm.s32 @!p0 $0x1  }
0x4c: {  	_ =	swait.ge @!p0 [sflag:s0], s1  }
0x4d: {  	s1 =	ssub.s32 @!p0 $0x0, s1;
	[sflag:s0] =	ssyncset.done @!p0 $0x0  }
0x4e: {  	[sflag:s0] =	ssyncadd.s32 @!p0 s1  }
0x4f: {  	[bflag:$0x3] =	sbarrier.arrive $0xFFFF  }
0x50: {  	_ =	shalt  }

</sc_bundles>
